<compile_context>
chip_gen: v7x
topology: tpu7x:2x2x1
jax: 0.10.2.dev20260603
libtpu: 0.0.44.dev20260713+nightly
codegen_flags: <defaults>
</compile_context>

<pallas_src>
import functools

import jax
import jax.numpy as jnp
from jax import lax
from jax.experimental import pallas as pl
from jax.experimental.pallas import tpu as pltpu
from jax.experimental.pallas import tpu_sc as plsc

EMB = 128
NC = 2
NS = 16
NW = NC * NS
CH = 128
NBUF = 5


def _neg_ring(wid, tbl, out, nidx, nch, bufs, gsems, wsems):
    nb = nch * CH

    def body(g, carry):
        cps = []
        for j in range(NBUF):
            @pl.when(g > 0)
            def _(j=j):
                pltpu.make_async_copy(out.at[pl.ds(wid * nb, CH)],
                                      bufs[j], wsems[j]).wait()
            c = NBUF * g + j
            cps.append(pltpu.async_copy(tbl.at[nidx.at[c]], bufs[j],
                                        gsems[j]))
        for j in range(NBUF):
            cps[j].wait()
            c = NBUF * g + j
            pltpu.async_copy(bufs[j], out.at[pl.ds(wid * nb + c * CH, CH)],
                             wsems[j])
        return carry

    lax.fori_loop(0, nch // NBUF, body, 0)
    for j in range(NBUF):
        pltpu.make_async_copy(out.at[pl.ds(wid * nb, CH)], bufs[j],
                              wsems[j]).wait()


def _sc_gather_all(users, items, neg_chunks, U_mlp, U_mf, U_mlp_g, U_mf_g,
                   V_mlp, V_mf):
    B = users.shape[0]
    nch = neg_chunks.shape[1]
    NB = NW * nch * CH
    ub = B // NW

    mesh = plsc.VectorSubcoreMesh(core_axis_name="c", subcore_axis_name="s")
    f32 = jnp.float32
    out_type = (
        [jax.ShapeDtypeStruct((B, EMB), f32)] * 6
        + [jax.ShapeDtypeStruct((NB, EMB), f32)] * 2
    )
    scratch_types = (
        [pltpu.VMEM((ub,), jnp.int32),
         pltpu.VMEM((ub,), jnp.int32),
         pltpu.VMEM((nch, CH), jnp.int32),
         pltpu.VMEM((ub, EMB), f32),
         pltpu.VMEM((ub, EMB), f32)]
        + [pltpu.VMEM((CH, EMB), f32)] * NBUF
        + [pltpu.SemaphoreType.DMA] * (2 * NBUF)
    )

    @functools.partial(pl.kernel, out_type=out_type, mesh=mesh,
                       scratch_types=scratch_types)
    def k(users_h, items_h, neg_h, Umlp_h, Umf_h, Ug1_h, Ug2_h, Vmlp_h, Vmf_h,
          umlp_o, umf_o, ug1_o, ug2_o, vmlp_o, vmf_o, negmlp_o, negmf_o,
          uidx, iidx, nidx, sbuf0, sbuf1, bbuf0, bbuf1, bbuf2, bbuf3, bbuf4,
          gsem0, gsem1, gsem2, gsem3, gsem4,
          wsem0, wsem1, wsem2, wsem3, wsem4):
        bufs = (bbuf0, bbuf1, bbuf2, bbuf3, bbuf4)
        gsems = (gsem0, gsem1, gsem2, gsem3, gsem4)
        wsems = (wsem0, wsem1, wsem2, wsem3, wsem4)
        sbufs = (sbuf0, sbuf1)
        wid = lax.axis_index("s") * NC + lax.axis_index("c")
        pltpu.sync_copy(users_h.at[pl.ds(wid * ub, ub)], uidx)
        pltpu.sync_copy(items_h.at[pl.ds(wid * ub, ub)], iidx)
        pltpu.sync_copy(neg_h.at[wid], nidx)

        small = [
            (Umlp_h, uidx, umlp_o), (Umf_h, uidx, umf_o),
            (Ug1_h, uidx, ug1_o), (Ug2_h, uidx, ug2_o),
            (Vmlp_h, iidx, vmlp_o), (Vmf_h, iidx, vmf_o),
        ]
        pend = [None, None]
        for n, (tbl, idx, out) in enumerate(small):
            s = n % 2
            if pend[s] is not None:
                cp, out_prev = pend[s]
                cp.wait()
                pltpu.sync_copy(sbufs[s], out_prev.at[pl.ds(wid * ub, ub)])
            pend[s] = (pltpu.async_copy(tbl.at[idx], sbufs[s], gsems[s]), out)
        for s in range(2):
            cp, out_prev = pend[s]
            cp.wait()
            pltpu.sync_copy(sbufs[s], out_prev.at[pl.ds(wid * ub, ub)])

        _neg_ring(wid, Vmlp_h, negmlp_o, nidx, nch, bufs, gsems, wsems)
        _neg_ring(wid, Vmf_h, negmf_o, nidx, nch, bufs, gsems, wsems)

    return k(users, items, neg_chunks, U_mlp, U_mf, U_mlp_g, U_mf_g,
             V_mlp, V_mf)


def _tc_head(u_mlp, u_mf, v_mlp, v_mf, neg_mlp_rows, neg_mf_rows,
             W1, b1r, W2, b2r, nneg):
    B = u_mlp.shape[0]
    NB = neg_mlp_rows.shape[0]
    f32 = jnp.float32

    def body(u_ref, umf_ref, v_ref, vmf_ref, nm_ref, nf_ref,
             W1_ref, b1_ref, W2_ref, b2_ref,
             mlp_o, mf_o, negmlp_o, negmf_o, a_scr):
        W1b = W1_ref[EMB:2 * EMB, :]
        W2 = W2_ref[...]
        b2 = b2_ref[0:1, :]

        @pl.when(pl.program_id(0) == 0)
        def _():
            W1t = W1_ref[0:EMB, :]
            A = (jnp.dot(u_ref[...], W1t, preferred_element_type=f32)
                 + b1_ref[0:1, :])
            a_scr[...] = A
            hpos = jnp.maximum(
                A + jnp.dot(v_ref[...], W1b, preferred_element_type=f32), 0.0)
            mlp_o[...] = jnp.dot(hpos, W2, preferred_element_type=f32) + b2
            mf_o[...] = umf_ref[...] * vmf_ref[...]

        M = jnp.dot(nm_ref[...], W1b, preferred_element_type=f32)
        H = jnp.maximum(a_scr[...] + M, 0.0)
        negmlp_o[...] = jnp.dot(H, W2, preferred_element_type=f32) + b2
        negmf_o[...] = umf_ref[...] * nf_ref[...]

    res_spec = pl.BlockSpec((B, EMB), lambda i: (0, 0))
    blk_spec = pl.BlockSpec((B, EMB), lambda i: (i, 0))
    full = lambda shape: pl.BlockSpec(shape, lambda i: (0, 0))
    return pl.pallas_call(
        body,
        grid=(nneg,),
        in_specs=[res_spec, res_spec, res_spec, res_spec, blk_spec, blk_spec,
                  full((2 * EMB, EMB)), full((1, EMB)),
                  full((EMB, EMB)), full((1, EMB))],
        out_specs=[res_spec, res_spec, blk_spec, blk_spec],
        out_shape=[jax.ShapeDtypeStruct((B, EMB), f32)] * 2
        + [jax.ShapeDtypeStruct((NB, EMB), f32)] * 2,
        scratch_shapes=[pltpu.VMEM((B, EMB), f32)],
        compiler_params=pltpu.CompilerParams(
            dimension_semantics=("arbitrary",)),
    )(u_mlp, u_mf, v_mlp, v_mf, neg_mlp_rows, neg_mf_rows, W1, b1r, W2, b2r)


def kernel(users, items, neg_items, U_mlp, U_mf, V_mlp, V_mf,
           U_mlp_g, U_mf_g, W1, b1, W2, b2):
    B, NNEG = neg_items.shape
    i32 = jnp.int32
    users = users.astype(i32)
    items = items.astype(i32)
    nch = (B * NNEG) // (NW * CH)
    neg_chunks = jnp.swapaxes(neg_items.astype(i32), 0, 1).reshape(NW, nch, CH)

    (u_mlp, u_mf, u_mlp_g, u_mf_g, v_mlp, v_mf,
     neg_mlp_rows, neg_mf_rows) = _sc_gather_all(
        users, items, neg_chunks, U_mlp, U_mf, U_mlp_g, U_mf_g, V_mlp, V_mf)

    b1r = b1.reshape(1, EMB)
    b2r = b2.reshape(1, EMB)
    mlp_vector, mf_vector, negmlp_flat, negmf_flat = _tc_head(
        u_mlp, u_mf, v_mlp, v_mf, neg_mlp_rows, neg_mf_rows,
        W1, b1r, W2, b2r, NNEG)

    neg_mlp_vector = jnp.swapaxes(negmlp_flat.reshape(NNEG, B, EMB), 0, 1)
    neg_mf_vector = jnp.swapaxes(negmf_flat.reshape(NNEG, B, EMB), 0, 1)
    return (mlp_vector, mf_vector, u_mlp, u_mf, u_mlp_g, u_mf_g,
            neg_mlp_vector, neg_mf_vector)

# --- scband reference (transcript-rebuilt; emitter-appended) ---
"""Pipeline reference for scband-pri-cdr-6665789243894 (READ-ONLY COPY).

The authoritative reference and input builder live on the scoring server;
editing this copy changes nothing except your own understanding.
"""

import jax, jax.numpy as jnp
import numpy as np

NUM_USERS = 100000
NUM_ITEMS = 100000
EMB = 128
B = 4096
NNEG = 50


def my_index_select(memory, index):
    tmp = list(index.shape) + [-1]
    flat = index.reshape(-1)
    ans = jnp.take(memory, flat, axis=0)
    return ans.reshape(tmp)


def mlp_apply(x, W1, b1, W2, b2):
    h = jax.nn.relu(jnp.dot(x, W1) + b1)
    return jnp.dot(h, W2) + b2


def setup_inputs(seed: int = 0) -> dict:
    key = jax.random.key(seed)
    ks = jax.random.split(key, 13)
    return {
        "users": jax.random.randint(ks[0], (B,), 0, NUM_USERS, dtype=jnp.int64 if jax.config.jax_enable_x64 else jnp.int32),
        "items": jax.random.randint(ks[1], (B,), 0, NUM_ITEMS, dtype=jnp.int64 if jax.config.jax_enable_x64 else jnp.int32),
        "neg_items": jax.random.randint(ks[2], (B, NNEG), 0, NUM_ITEMS, dtype=jnp.int64 if jax.config.jax_enable_x64 else jnp.int32),
        "U_mlp": jax.random.normal(ks[3], (NUM_USERS, EMB), dtype=jnp.float32) * 0.05,
        "U_mf": jax.random.normal(ks[4], (NUM_USERS, EMB), dtype=jnp.float32) * 0.05,
        "V_mlp": jax.random.normal(ks[5], (NUM_ITEMS, EMB), dtype=jnp.float32) * 0.05,
        "V_mf": jax.random.normal(ks[6], (NUM_ITEMS, EMB), dtype=jnp.float32) * 0.05,
        "U_mlp_g": jax.random.normal(ks[7], (NUM_USERS, EMB), dtype=jnp.float32) * 0.05,
        "U_mf_g": jax.random.normal(ks[8], (NUM_USERS, EMB), dtype=jnp.float32) * 0.05,
        "W1": jax.random.normal(ks[9], (2 * EMB, EMB), dtype=jnp.float32) * 0.05,
        "b1": jnp.zeros((EMB,), dtype=jnp.float32),
        "W2": jax.random.normal(ks[10], (EMB, EMB), dtype=jnp.float32) * 0.05,
        "b2": jnp.zeros((EMB,), dtype=jnp.float32),
    }


def reference(users, items, neg_items, U_mlp, U_mf, V_mlp, V_mf, U_mlp_g, U_mf_g, W1, b1, W2, b2):
    # training-mode forward of PriCDR
    u_mlp = my_index_select(U_mlp, users)            # [B, EMB]
    u_mf = my_index_select(U_mf, users)              # [B, EMB]
    u_mlp_aligned = my_index_select(U_mlp, users)
    u_mf_aligned = my_index_select(U_mf, users)
    u_mlp_g = my_index_select(U_mlp_g, users)
    u_mf_g = my_index_select(U_mf_g, users)
    v_mlp = my_index_select(V_mlp, items)            # [B, EMB]
    v_mf = my_index_select(V_mf, items)              # [B, EMB]

    mlp_vector = jnp.concatenate([u_mlp, v_mlp], axis=-1)   # [B, 2*EMB]
    mf_vector = u_mlp * 0 + u_mf * v_mf                      # torch.mul(u_mf, v_mf)
    mf_vector = u_mf * v_mf
    mlp_vector = mlp_apply(mlp_vector, W1, b1, W2, b2)       # [B, EMB]

    neg_v_mlp = my_index_select(V_mlp, neg_items)    # [B, NNEG, EMB]
    neg_v_mf = my_index_select(V_mf, neg_items)      # [B, NNEG, EMB]
    u_mlp_r = jnp.repeat(u_mlp[:, None, :], neg_v_mlp.shape[1], axis=1)
    u_mf_r = jnp.repeat(u_mf[:, None, :], neg_v_mf.shape[1], axis=1)
    neg_mlp_vector = jnp.concatenate([u_mlp_r, neg_v_mlp], axis=-1)  # [B, NNEG, 2*EMB]
    neg_mf_vector = u_mf_r * neg_v_mf                                  # [B, NNEG, EMB]
    neg_mlp_vector = mlp_apply(neg_mlp_vector, W1, b1, W2, b2)         # [B, NNEG, EMB]

    return (mlp_vector, mf_vector, u_mlp_aligned, u_mf_aligned,
            u_mlp_g, u_mf_g, neg_mlp_vector, neg_mf_vector)

if __name__ == "__main__":
    import jax
    _d = setup_inputs()
    print(jax.jit(kernel)(*tuple(_d.values())))

</pallas_src>

<mosaic_0001>
#map = affine_map<(d0, d1) -> (0)>
#map1 = affine_map<(d0, d1) -> (0, 0, 0)>
#map2 = affine_map<(d0, d1) -> (0, 0)>
module attributes {stable_mosaic.version = 14 : i64} {
  func.func @k(%arg0: i32, %arg1: i32, %arg2: memref<4096xi32, #tpu.memory_space<hbm>>, %arg3: memref<4096xi32, #tpu.memory_space<hbm>>, %arg4: memref<32x50x128xi32, #tpu.memory_space<hbm>>, %arg5: memref<100000x128xf32, #tpu.memory_space<hbm>>, %arg6: memref<100000x128xf32, #tpu.memory_space<hbm>>, %arg7: memref<100000x128xf32, #tpu.memory_space<hbm>>, %arg8: memref<100000x128xf32, #tpu.memory_space<hbm>>, %arg9: memref<100000x128xf32, #tpu.memory_space<hbm>>, %arg10: memref<100000x128xf32, #tpu.memory_space<hbm>>, %arg11: memref<4096x128xf32, #tpu.memory_space<hbm>>, %arg12: memref<4096x128xf32, #tpu.memory_space<hbm>>, %arg13: memref<4096x128xf32, #tpu.memory_space<hbm>>, %arg14: memref<4096x128xf32, #tpu.memory_space<hbm>>, %arg15: memref<4096x128xf32, #tpu.memory_space<hbm>>, %arg16: memref<4096x128xf32, #tpu.memory_space<hbm>>, %arg17: memref<204800x128xf32, #tpu.memory_space<hbm>>, %arg18: memref<204800x128xf32, #tpu.memory_space<hbm>>, %arg19: memref<128xi32, #tpu.memory_space<vmem>>, %arg20: memref<128xi32, #tpu.memory_space<vmem>>, %arg21: memref<50x128xi32, #tpu.memory_space<vmem>>, %arg22: memref<128x128xf32, #tpu.memory_space<vmem>>, %arg23: memref<128x128xf32, #tpu.memory_space<vmem>>, %arg24: memref<128x128xf32, #tpu.memory_space<vmem>>, %arg25: memref<128x128xf32, #tpu.memory_space<vmem>>, %arg26: memref<128x128xf32, #tpu.memory_space<vmem>>, %arg27: memref<128x128xf32, #tpu.memory_space<vmem>>, %arg28: memref<128x128xf32, #tpu.memory_space<vmem>>, %arg29: memref<!tpu.dma_semaphore, #tpu.memory_space<semaphore_mem>>, %arg30: memref<!tpu.dma_semaphore, #tpu.memory_space<semaphore_mem>>, %arg31: memref<!tpu.dma_semaphore, #tpu.memory_space<semaphore_mem>>, %arg32: memref<!tpu.dma_semaphore, #tpu.memory_space<semaphore_mem>>, %arg33: memref<!tpu.dma_semaphore, #tpu.memory_space<semaphore_mem>>, %arg34: memref<!tpu.dma_semaphore, #tpu.memory_space<semaphore_mem>>, %arg35: memref<!tpu.dma_semaphore, #tpu.memory_space<semaphore_mem>>, %arg36: memref<!tpu.dma_semaphore, #tpu.memory_space<semaphore_mem>>, %arg37: memref<!tpu.dma_semaphore, #tpu.memory_space<semaphore_mem>>, %arg38: memref<!tpu.dma_semaphore, #tpu.memory_space<semaphore_mem>>) attributes {dimension_semantics = [#tpu.dimension_semantics<core_parallel>, #tpu.dimension_semantics<subcore_parallel>], iteration_bounds = array<i64: 2, 16>, scalar_prefetch = 0 : i64, scratch_operands = 20 : i64, tpu.core_type = #tpu.core_type<sc_vector_subcore>, window_params = [{transform_indices = #map}, {transform_indices = #map}, {transform_indices = #map1}, {transform_indices = #map2}, {transform_indices = #map2}, {transform_indices = #map2}, {transform_indices = #map2}, {transform_indices = #map2}, {transform_indices = #map2}, {transform_indices = #map2}, {transform_indices = #map2}, {transform_indices = #map2}, {transform_indices = #map2}, {transform_indices = #map2}, {transform_indices = #map2}, {transform_indices = #map2}, {transform_indices = #map2}]} {
    %mul3A = arith.constant 2 : i32
    %mul3A_0 = arith.muli %arg1, %mul3A : i32
    %add3A = arith.addi %mul3A_0, %arg0 : i32
    %mul3A_1 = arith.constant 128 : i32
    %mul3A_2 = arith.muli %add3A, %mul3A_1 : i32
    "tpu.region"() ({
      %run_scoped3A = tpu.sem_alloc : memref<!tpu.dma_semaphore, #tpu.memory_space<semaphore_mem>>
      %dma_start3A_122 = tpu.memref_slice %arg2[%mul3A_2] : memref<4096xi32, #tpu.memory_space<hbm>> -> memref<128xi32, #tpu.memory_space<hbm>>
      %dma_start3A_123 = tpu.memref_slice %arg2[%mul3A_2] : memref<4096xi32, #tpu.memory_space<hbm>> -> memref<128xi32, #tpu.memory_space<hbm>>
      tpu.enqueue_dma source(%dma_start3A_123 : memref<128xi32, #tpu.memory_space<hbm>>) target(%arg19 : memref<128xi32, #tpu.memory_space<vmem>>) target_semaphore(%run_scoped3A : memref<!tpu.dma_semaphore, #tpu.memory_space<semaphore_mem>>)
      %dma_wait3A_124 = tpu.memref_slice %arg2[%mul3A_2] : memref<4096xi32, #tpu.memory_space<hbm>> -> memref<128xi32, #tpu.memory_space<hbm>>
      %dma_wait3A_125 = tpu.memref_slice %arg2[%mul3A_2] : memref<4096xi32, #tpu.memory_space<hbm>> -> memref<128xi32, #tpu.memory_space<hbm>>
      tpu.wait_dma2 semaphore(%run_scoped3A : memref<!tpu.dma_semaphore, #tpu.memory_space<semaphore_mem>>) src(%dma_wait3A_125 : memref<128xi32, #tpu.memory_space<hbm>>) dst(%arg19 : memref<128xi32, #tpu.memory_space<vmem>>)
      tpu.yield
    }) : () -> ()
    %mul3A_3 = arith.constant 128 : i32
    %mul3A_4 = arith.muli %add3A, %mul3A_3 : i32
    "tpu.region"() ({
      %run_scoped3A = tpu.sem_alloc : memref<!tpu.dma_semaphore, #tpu.memory_space<semaphore_mem>>
      %dma_start3A_122 = tpu.memref_slice %arg3[%mul3A_4] : memref<4096xi32, #tpu.memory_space<hbm>> -> memref<128xi32, #tpu.memory_space<hbm>>
      %dma_start3A_123 = tpu.memref_slice %arg3[%mul3A_4] : memref<4096xi32, #tpu.memory_space<hbm>> -> memref<128xi32, #tpu.memory_space<hbm>>
      tpu.enqueue_dma source(%dma_start3A_123 : memref<128xi32, #tpu.memory_space<hbm>>) target(%arg20 : memref<128xi32, #tpu.memory_space<vmem>>) target_semaphore(%run_scoped3A : memref<!tpu.dma_semaphore, #tpu.memory_space<semaphore_mem>>)
      %dma_wait3A_124 = tpu.memref_slice %arg3[%mul3A_4] : memref<4096xi32, #tpu.memory_space<hbm>> -> memref<128xi32, #tpu.memory_space<hbm>>
      %dma_wait3A_125 = tpu.memref_slice %arg3[%mul3A_4] : memref<4096xi32, #tpu.memory_space<hbm>> -> memref<128xi32, #tpu.memory_space<hbm>>
      tpu.wait_dma2 semaphore(%run_scoped3A : memref<!tpu.dma_semaphore, #tpu.memory_space<semaphore_mem>>) src(%dma_wait3A_125 : memref<128xi32, #tpu.memory_space<hbm>>) dst(%arg20 : memref<128xi32, #tpu.memory_space<vmem>>)
      tpu.yield
    }) : () -> ()
    "tpu.region"() ({
      %run_scoped3A = tpu.sem_alloc : memref<!tpu.dma_semaphore, #tpu.memory_space<semaphore_mem>>
      %dma_start3A_122 = arith.constant 0 : i32
      %dma_start3A_123 = arith.constant 0 : i32
      %dma_start3A_124 = tpu.memref_slice %arg4[%add3A, %dma_start3A_122, %dma_start3A_123] : memref<32x50x128xi32, #tpu.memory_space<hbm>> -> memref<1x50x128xi32, #tpu.memory_space<hbm>>
      %dma_start3A_125 = tpu.memref_squeeze %dma_start3A_124 : memref<1x50x128xi32, #tpu.memory_space<hbm>> -> memref<50x128xi32, #tpu.memory_space<hbm>>
      %dma_start3A_126 = arith.constant 0 : i32
      %dma_start3A_127 = arith.constant 0 : i32
      %dma_start3A_128 = tpu.memref_slice %arg4[%add3A, %dma_start3A_126, %dma_start3A_127] : memref<32x50x128xi32, #tpu.memory_space<hbm>> -> memref<1x50x128xi32, #tpu.memory_space<hbm>>
      %dma_start3A_129 = tpu.memref_squeeze %dma_start3A_128 : memref<1x50x128xi32, #tpu.memory_space<hbm>> -> memref<50x128xi32, #tpu.memory_space<hbm>>
      tpu.enqueue_dma source(%dma_start3A_129 : memref<50x128xi32, #tpu.memory_space<hbm>>) target(%arg21 : memref<50x128xi32, #tpu.memory_space<vmem>>) target_semaphore(%run_scoped3A : memref<!tpu.dma_semaphore, #tpu.memory_space<semaphore_mem>>)
      %dma_wait3A_130 = arith.constant 0 : i32
      %dma_wait3A_131 = arith.constant 0 : i32
      %dma_wait3A_132 = tpu.memref_slice %arg4[%add3A, %dma_wait3A_130, %dma_wait3A_131] : memref<32x50x128xi32, #tpu.memory_space<hbm>> -> memref<1x50x128xi32, #tpu.memory_space<hbm>>
      %dma_wait3A_133 = tpu.memref_squeeze %dma_wait3A_132 : memref<1x50x128xi32, #tpu.memory_space<hbm>> -> memref<50x128xi32, #tpu.memory_space<hbm>>
      %dma_wait3A_134 = arith.constant 0 : i32
      %dma_wait3A_135 = arith.constant 0 : i32
      %dma_wait3A_136 = tpu.memref_slice %arg4[%add3A, %dma_wait3A_134, %dma_wait3A_135] : memref<32x50x128xi32, #tpu.memory_space<hbm>> -> memref<1x50x128xi32, #tpu.memory_space<hbm>>
      %dma_wait3A_137 = tpu.memref_squeeze %dma_wait3A_136 : memref<1x50x128xi32, #tpu.memory_space<hbm>> -> memref<50x128xi32, #tpu.memory_space<hbm>>
      tpu.wait_dma2 semaphore(%run_scoped3A : memref<!tpu.dma_semaphore, #tpu.memory_space<semaphore_mem>>) src(%dma_wait3A_137 : memref<50x128xi32, #tpu.memory_space<hbm>>) dst(%arg21 : memref<50x128xi32, #tpu.memory_space<vmem>>)
      tpu.yield
    }) : () -> ()
    %dma_start3A = arith.constant 0 : i32
    %dma_start3A_5 = arith.constant 0 : i32
    %dma_start3A_6 = tpu.memref_slice %arg5[%dma_start3A, %dma_start3A_5] : memref<100000x128xf32, #tpu.memory_space<hbm>> -> memref<100000x128xf32, #tpu.memory_space<hbm>>
    tpu.enqueue_indirect_dma source(%dma_start3A_6 : memref<100000x128xf32, #tpu.memory_space<hbm>>) target(%arg22 : memref<128x128xf32, #tpu.memory_space<vmem>>) offsets(%arg19 : memref<128xi32, #tpu.memory_space<vmem>>) semaphore(%arg29 : memref<!tpu.dma_semaphore, #tpu.memory_space<semaphore_mem>>)
    %dma_start3A_7 = arith.constant 0 : i32
    %dma_start3A_8 = arith.constant 0 : i32
    %dma_start3A_9 = tpu.memref_slice %arg6[%dma_start3A_7, %dma_start3A_8] : memref<100000x128xf32, #tpu.memory_space<hbm>> -> memref<100000x128xf32, #tpu.memory_space<hbm>>
    tpu.enqueue_indirect_dma source(%dma_start3A_9 : memref<100000x128xf32, #tpu.memory_space<hbm>>) target(%arg23 : memref<128x128xf32, #tpu.memory_space<vmem>>) offsets(%arg19 : memref<128xi32, #tpu.memory_space<vmem>>) semaphore(%arg30 : memref<!tpu.dma_semaphore, #tpu.memory_space<semaphore_mem>>)
    %dma_wait3A = arith.constant 0 : i32
    %dma_wait3A_10 = arith.constant 0 : i32
    %dma_wait3A_11 = tpu.memref_slice %arg5[%dma_wait3A, %dma_wait3A_10] : memref<100000x128xf32, #tpu.memory_space<hbm>> -> memref<100000x128xf32, #tpu.memory_space<hbm>>
    tpu.wait_indirect_dma semaphore(%arg29 : memref<!tpu.dma_semaphore, #tpu.memory_space<semaphore_mem>>) src(%dma_wait3A_11 : memref<100000x128xf32, #tpu.memory_space<hbm>>) dst(%arg22 : memref<128x128xf32, #tpu.memory_space<vmem>>)
    %mul3A_12 = arith.constant 128 : i32
    %mul3A_13 = arith.muli %add3A, %mul3A_12 : i32
    "tpu.region"() ({
      %run_scoped3A = tpu.sem_alloc : memref<!tpu.dma_semaphore, #tpu.memory_space<semaphore_mem>>
      %dma_start3A_122 = arith.constant 0 : i32
      %dma_start3A_123 = tpu.memref_slice %arg11[%mul3A_13, %dma_start3A_122] : memref<4096x128xf32, #tpu.memory_space<hbm>> -> memref<128x128xf32, #tpu.memory_space<hbm>>
      %dma_start3A_124 = arith.constant 0 : i32
      %dma_start3A_125 = tpu.memref_slice %arg11[%mul3A_13, %dma_start3A_124] : memref<4096x128xf32, #tpu.memory_space<hbm>> -> memref<128x128xf32, #tpu.memory_space<hbm>>
      tpu.enqueue_dma source(%arg22 : memref<128x128xf32, #tpu.memory_space<vmem>>) target(%dma_start3A_125 : memref<128x128xf32, #tpu.memory_space<hbm>>) target_semaphore(%run_scoped3A : memref<!tpu.dma_semaphore, #tpu.memory_space<semaphore_mem>>)
      %dma_wait3A_126 = arith.constant 0 : i32
      %dma_wait3A_127 = tpu.memref_slice %arg11[%mul3A_13, %dma_wait3A_126] : memref<4096x128xf32, #tpu.memory_space<hbm>> -> memref<128x128xf32, #tpu.memory_space<hbm>>
      %dma_wait3A_128 = arith.constant 0 : i32
      %dma_wait3A_129 = tpu.memref_slice %arg11[%mul3A_13, %dma_wait3A_128] : memref<4096x128xf32, #tpu.memory_space<hbm>> -> memref<128x128xf32, #tpu.memory_space<hbm>>
      tpu.wait_dma2 semaphore(%run_scoped3A : memref<!tpu.dma_semaphore, #tpu.memory_space<semaphore_mem>>) src(%arg22 : memref<128x128xf32, #tpu.memory_space<vmem>>) dst(%dma_wait3A_129 : memref<128x128xf32, #tpu.memory_space<hbm>>)
      tpu.yield
    }) : () -> ()
    %dma_start3A_14 = arith.constant 0 : i32
    %dma_start3A_15 = arith.constant 0 : i32
    %dma_start3A_16 = tpu.memref_slice %arg7[%dma_start3A_14, %dma_start3A_15] : memref<100000x128xf32, #tpu.memory_space<hbm>> -> memref<100000x128xf32, #tpu.memory_space<hbm>>
    tpu.enqueue_indirect_dma source(%dma_start3A_16 : memref<100000x128xf32, #tpu.memory_space<hbm>>) target(%arg22 : memref<128x128xf32, #tpu.memory_space<vmem>>) offsets(%arg19 : memref<128xi32, #tpu.memory_space<vmem>>) semaphore(%arg29 : memref<!tpu.dma_semaphore, #tpu.memory_space<semaphore_mem>>)
    %dma_wait3A_17 = arith.constant 0 : i32
    %dma_wait3A_18 = arith.constant 0 : i32
    %dma_wait3A_19 = tpu.memref_slice %arg6[%dma_wait3A_17, %dma_wait3A_18] : memref<100000x128xf32, #tpu.memory_space<hbm>> -> memref<100000x128xf32, #tpu.memory_space<hbm>>
    tpu.wait_indirect_dma semaphore(%arg30 : memref<!tpu.dma_semaphore, #tpu.memory_space<semaphore_mem>>) src(%dma_wait3A_19 : memref<100000x128xf32, #tpu.memory_space<hbm>>) dst(%arg23 : memref<128x128xf32, #tpu.memory_space<vmem>>)
    %mul3A_20 = arith.constant 128 : i32
    %mul3A_21 = arith.muli %add3A, %mul3A_20 : i32
    "tpu.region"() ({
      %run_scoped3A = tpu.sem_alloc : memref<!tpu.dma_semaphore, #tpu.memory_space<semaphore_mem>>
      %dma_start3A_122 = arith.constant 0 : i32
      %dma_start3A_123 = tpu.memref_slice %arg12[%mul3A_21, %dma_start3A_122] : memref<4096x128xf32, #tpu.memory_space<hbm>> -> memref<128x128xf32, #tpu.memory_space<hbm>>
      %dma_start3A_124 = arith.constant 0 : i32
      %dma_start3A_125 = tpu.memref_slice %arg12[%mul3A_21, %dma_start3A_124] : memref<4096x128xf32, #tpu.memory_space<hbm>> -> memref<128x128xf32, #tpu.memory_space<hbm>>
      tpu.enqueue_dma source(%arg23 : memref<128x128xf32, #tpu.memory_space<vmem>>) target(%dma_start3A_125 : memref<128x128xf32, #tpu.memory_space<hbm>>) target_semaphore(%run_scoped3A : memref<!tpu.dma_semaphore, #tpu.memory_space<semaphore_mem>>)
      %dma_wait3A_126 = arith.constant 0 : i32
      %dma_wait3A_127 = tpu.memref_slice %arg12[%mul3A_21, %dma_wait3A_126] : memref<4096x128xf32, #tpu.memory_space<hbm>> -> memref<128x128xf32, #tpu.memory_space<hbm>>
      %dma_wait3A_128 = arith.constant 0 : i32
      %dma_wait3A_129 = tpu.memref_slice %arg12[%mul3A_21, %dma_wait3A_128] : memref<4096x128xf32, #tpu.memory_space<hbm>> -> memref<128x128xf32, #tpu.memory_space<hbm>>
      tpu.wait_dma2 semaphore(%run_scoped3A : memref<!tpu.dma_semaphore, #tpu.memory_space<semaphore_mem>>) src(%arg23 : memref<128x128xf32, #tpu.memory_space<vmem>>) dst(%dma_wait3A_129 : memref<128x128xf32, #tpu.memory_space<hbm>>)
      tpu.yield
    }) : () -> ()
    %dma_start3A_22 = arith.constant 0 : i32
    %dma_start3A_23 = arith.constant 0 : i32
    %dma_start3A_24 = tpu.memref_slice %arg8[%dma_start3A_22, %dma_start3A_23] : memref<100000x128xf32, #tpu.memory_space<hbm>> -> memref<100000x128xf32, #tpu.memory_space<hbm>>
    tpu.enqueue_indirect_dma source(%dma_start3A_24 : memref<100000x128xf32, #tpu.memory_space<hbm>>) target(%arg23 : memref<128x128xf32, #tpu.memory_space<vmem>>) offsets(%arg19 : memref<128xi32, #tpu.memory_space<vmem>>) semaphore(%arg30 : memref<!tpu.dma_semaphore, #tpu.memory_space<semaphore_mem>>)
    %dma_wait3A_25 = arith.constant 0 : i32
    %dma_wait3A_26 = arith.constant 0 : i32
    %dma_wait3A_27 = tpu.memref_slice %arg7[%dma_wait3A_25, %dma_wait3A_26] : memref<100000x128xf32, #tpu.memory_space<hbm>> -> memref<100000x128xf32, #tpu.memory_space<hbm>>
    tpu.wait_indirect_dma semaphore(%arg29 : memref<!tpu.dma_semaphore, #tpu.memory_space<semaphore_mem>>) src(%dma_wait3A_27 : memref<100000x128xf32, #tpu.memory_space<hbm>>) dst(%arg22 : memref<128x128xf32, #tpu.memory_space<vmem>>)
    %mul3A_28 = arith.constant 128 : i32
    %mul3A_29 = arith.muli %add3A, %mul3A_28 : i32
    "tpu.region"() ({
      %run_scoped3A = tpu.sem_alloc : memref<!tpu.dma_semaphore, #tpu.memory_space<semaphore_mem>>
      %dma_start3A_122 = arith.constant 0 : i32
      %dma_start3A_123 = tpu.memref_slice %arg13[%mul3A_29, %dma_start3A_122] : memref<4096x128xf32, #tpu.memory_space<hbm>> -> memref<128x128xf32, #tpu.memory_space<hbm>>
      %dma_start3A_124 = arith.constant 0 : i32
      %dma_start3A_125 = tpu.memref_slice %arg13[%mul3A_29, %dma_start3A_124] : memref<4096x128xf32, #tpu.memory_space<hbm>> -> memref<128x128xf32, #tpu.memory_space<hbm>>
      tpu.enqueue_dma source(%arg22 : memref<128x128xf32, #tpu.memory_space<vmem>>) target(%dma_start3A_125 : memref<128x128xf32, #tpu.memory_space<hbm>>) target_semaphore(%run_scoped3A : memref<!tpu.dma_semaphore, #tpu.memory_space<semaphore_mem>>)
      %dma_wait3A_126 = arith.constant 0 : i32
      %dma_wait3A_127 = tpu.memref_slice %arg13[%mul3A_29, %dma_wait3A_126] : memref<4096x128xf32, #tpu.memory_space<hbm>> -> memref<128x128xf32, #tpu.memory_space<hbm>>
      %dma_wait3A_128 = arith.constant 0 : i32
      %dma_wait3A_129 = tpu.memref_slice %arg13[%mul3A_29, %dma_wait3A_128] : memref<4096x128xf32, #tpu.memory_space<hbm>> -> memref<128x128xf32, #tpu.memory_space<hbm>>
      tpu.wait_dma2 semaphore(%run_scoped3A : memref<!tpu.dma_semaphore, #tpu.memory_space<semaphore_mem>>) src(%arg22 : memref<128x128xf32, #tpu.memory_space<vmem>>) dst(%dma_wait3A_129 : memref<128x128xf32, #tpu.memory_space<hbm>>)
      tpu.yield
    }) : () -> ()
    %dma_start3A_30 = arith.constant 0 : i32
    %dma_start3A_31 = arith.constant 0 : i32
    %dma_start3A_32 = tpu.memref_slice %arg9[%dma_start3A_30, %dma_start3A_31] : memref<100000x128xf32, #tpu.memory_space<hbm>> -> memref<100000x128xf32, #tpu.memory_space<hbm>>
    tpu.enqueue_indirect_dma source(%dma_start3A_32 : memref<100000x128xf32, #tpu.memory_space<hbm>>) target(%arg22 : memref<128x128xf32, #tpu.memory_space<vmem>>) offsets(%arg20 : memref<128xi32, #tpu.memory_space<vmem>>) semaphore(%arg29 : memref<!tpu.dma_semaphore, #tpu.memory_space<semaphore_mem>>)
    %dma_wait3A_33 = arith.constant 0 : i32
    %dma_wait3A_34 = arith.constant 0 : i32
    %dma_wait3A_35 = tpu.memref_slice %arg8[%dma_wait3A_33, %dma_wait3A_34] : memref<100000x128xf32, #tpu.memory_space<hbm>> -> memref<100000x128xf32, #tpu.memory_space<hbm>>
    tpu.wait_indirect_dma semaphore(%arg30 : memref<!tpu.dma_semaphore, #tpu.memory_space<semaphore_mem>>) src(%dma_wait3A_35 : memref<100000x128xf32, #tpu.memory_space<hbm>>) dst(%arg23 : memref<128x128xf32, #tpu.memory_space<vmem>>)
    %mul3A_36 = arith.constant 128 : i32
    %mul3A_37 = arith.muli %add3A, %mul3A_36 : i32
    "tpu.region"() ({
      %run_scoped3A = tpu.sem_alloc : memref<!tpu.dma_semaphore, #tpu.memory_space<semaphore_mem>>
      %dma_start3A_122 = arith.constant 0 : i32
      %dma_start3A_123 = tpu.memref_slice %arg14[%mul3A_37, %dma_start3A_122] : memref<4096x128xf32, #tpu.memory_space<hbm>> -> memref<128x128xf32, #tpu.memory_space<hbm>>
      %dma_start3A_124 = arith.constant 0 : i32
      %dma_start3A_125 = tpu.memref_slice %arg14[%mul3A_37, %dma_start3A_124] : memref<4096x128xf32, #tpu.memory_space<hbm>> -> memref<128x128xf32, #tpu.memory_space<hbm>>
      tpu.enqueue_dma source(%arg23 : memref<128x128xf32, #tpu.memory_space<vmem>>) target(%dma_start3A_125 : memref<128x128xf32, #tpu.memory_space<hbm>>) target_semaphore(%run_scoped3A : memref<!tpu.dma_semaphore, #tpu.memory_space<semaphore_mem>>)
      %dma_wait3A_126 = arith.constant 0 : i32
      %dma_wait3A_127 = tpu.memref_slice %arg14[%mul3A_37, %dma_wait3A_126] : memref<4096x128xf32, #tpu.memory_space<hbm>> -> memref<128x128xf32, #tpu.memory_space<hbm>>
      %dma_wait3A_128 = arith.constant 0 : i32
      %dma_wait3A_129 = tpu.memref_slice %arg14[%mul3A_37, %dma_wait3A_128] : memref<4096x128xf32, #tpu.memory_space<hbm>> -> memref<128x128xf32, #tpu.memory_space<hbm>>
      tpu.wait_dma2 semaphore(%run_scoped3A : memref<!tpu.dma_semaphore, #tpu.memory_space<semaphore_mem>>) src(%arg23 : memref<128x128xf32, #tpu.memory_space<vmem>>) dst(%dma_wait3A_129 : memref<128x128xf32, #tpu.memory_space<hbm>>)
      tpu.yield
    }) : () -> ()
    %dma_start3A_38 = arith.constant 0 : i32
    %dma_start3A_39 = arith.constant 0 : i32
    %dma_start3A_40 = tpu.memref_slice %arg10[%dma_start3A_38, %dma_start3A_39] : memref<100000x128xf32, #tpu.memory_space<hbm>> -> memref<100000x128xf32, #tpu.memory_space<hbm>>
    tpu.enqueue_indirect_dma source(%dma_start3A_40 : memref<100000x128xf32, #tpu.memory_space<hbm>>) target(%arg23 : memref<128x128xf32, #tpu.memory_space<vmem>>) offsets(%arg20 : memref<128xi32, #tpu.memory_space<vmem>>) semaphore(%arg30 : memref<!tpu.dma_semaphore, #tpu.memory_space<semaphore_mem>>)
    %dma_wait3A_41 = arith.constant 0 : i32
    %dma_wait3A_42 = arith.constant 0 : i32
    %dma_wait3A_43 = tpu.memref_slice %arg9[%dma_wait3A_41, %dma_wait3A_42] : memref<100000x128xf32, #tpu.memory_space<hbm>> -> memref<100000x128xf32, #tpu.memory_space<hbm>>
    tpu.wait_indirect_dma semaphore(%arg29 : memref<!tpu.dma_semaphore, #tpu.memory_space<semaphore_mem>>) src(%dma_wait3A_43 : memref<100000x128xf32, #tpu.memory_space<hbm>>) dst(%arg22 : memref<128x128xf32, #tpu.memory_space<vmem>>)
    %mul3A_44 = arith.constant 128 : i32
    %mul3A_45 = arith.muli %add3A, %mul3A_44 : i32
    "tpu.region"() ({
      %run_scoped3A = tpu.sem_alloc : memref<!tpu.dma_semaphore, #tpu.memory_space<semaphore_mem>>
      %dma_start3A_122 = arith.constant 0 : i32
      %dma_start3A_123 = tpu.memref_slice %arg15[%mul3A_45, %dma_start3A_122] : memref<4096x128xf32, #tpu.memory_space<hbm>> -> memref<128x128xf32, #tpu.memory_space<hbm>>
      %dma_start3A_124 = arith.constant 0 : i32
      %dma_start3A_125 = tpu.memref_slice %arg15[%mul3A_45, %dma_start3A_124] : memref<4096x128xf32, #tpu.memory_space<hbm>> -> memref<128x128xf32, #tpu.memory_space<hbm>>
      tpu.enqueue_dma source(%arg22 : memref<128x128xf32, #tpu.memory_space<vmem>>) target(%dma_start3A_125 : memref<128x128xf32, #tpu.memory_space<hbm>>) target_semaphore(%run_scoped3A : memref<!tpu.dma_semaphore, #tpu.memory_space<semaphore_mem>>)
      %dma_wait3A_126 = arith.constant 0 : i32
      %dma_wait3A_127 = tpu.memref_slice %arg15[%mul3A_45, %dma_wait3A_126] : memref<4096x128xf32, #tpu.memory_space<hbm>> -> memref<128x128xf32, #tpu.memory_space<hbm>>
      %dma_wait3A_128 = arith.constant 0 : i32
      %dma_wait3A_129 = tpu.memref_slice %arg15[%mul3A_45, %dma_wait3A_128] : memref<4096x128xf32, #tpu.memory_space<hbm>> -> memref<128x128xf32, #tpu.memory_space<hbm>>
      tpu.wait_dma2 semaphore(%run_scoped3A : memref<!tpu.dma_semaphore, #tpu.memory_space<semaphore_mem>>) src(%arg22 : memref<128x128xf32, #tpu.memory_space<vmem>>) dst(%dma_wait3A_129 : memref<128x128xf32, #tpu.memory_space<hbm>>)
      tpu.yield
    }) : () -> ()
    %dma_wait3A_46 = arith.constant 0 : i32
    %dma_wait3A_47 = arith.constant 0 : i32
    %dma_wait3A_48 = tpu.memref_slice %arg10[%dma_wait3A_46, %dma_wait3A_47] : memref<100000x128xf32, #tpu.memory_space<hbm>> -> memref<100000x128xf32, #tpu.memory_space<hbm>>
    tpu.wait_indirect_dma semaphore(%arg30 : memref<!tpu.dma_semaphore, #tpu.memory_space<semaphore_mem>>) src(%dma_wait3A_48 : memref<100000x128xf32, #tpu.memory_space<hbm>>) dst(%arg23 : memref<128x128xf32, #tpu.memory_space<vmem>>)
    %mul3A_49 = arith.constant 128 : i32
    %mul3A_50 = arith.muli %add3A, %mul3A_49 : i32
    "tpu.region"() ({
      %run_scoped3A = tpu.sem_alloc : memref<!tpu.dma_semaphore, #tpu.memory_space<semaphore_mem>>
      %dma_start3A_122 = arith.constant 0 : i32
      %dma_start3A_123 = tpu.memref_slice %arg16[%mul3A_50, %dma_start3A_122] : memref<4096x128xf32, #tpu.memory_space<hbm>> -> memref<128x128xf32, #tpu.memory_space<hbm>>
      %dma_start3A_124 = arith.constant 0 : i32
      %dma_start3A_125 = tpu.memref_slice %arg16[%mul3A_50, %dma_start3A_124] : memref<4096x128xf32, #tpu.memory_space<hbm>> -> memref<128x128xf32, #tpu.memory_space<hbm>>
      tpu.enqueue_dma source(%arg23 : memref<128x128xf32, #tpu.memory_space<vmem>>) target(%dma_start3A_125 : memref<128x128xf32, #tpu.memory_space<hbm>>) target_semaphore(%run_scoped3A : memref<!tpu.dma_semaphore, #tpu.memory_space<semaphore_mem>>)
      %dma_wait3A_126 = arith.constant 0 : i32
      %dma_wait3A_127 = tpu.memref_slice %arg16[%mul3A_50, %dma_wait3A_126] : memref<4096x128xf32, #tpu.memory_space<hbm>> -> memref<128x128xf32, #tpu.memory_space<hbm>>
      %dma_wait3A_128 = arith.constant 0 : i32
      %dma_wait3A_129 = tpu.memref_slice %arg16[%mul3A_50, %dma_wait3A_128] : memref<4096x128xf32, #tpu.memory_space<hbm>> -> memref<128x128xf32, #tpu.memory_space<hbm>>
      tpu.wait_dma2 semaphore(%run_scoped3A : memref<!tpu.dma_semaphore, #tpu.memory_space<semaphore_mem>>) src(%arg23 : memref<128x128xf32, #tpu.memory_space<vmem>>) dst(%dma_wait3A_129 : memref<128x128xf32, #tpu.memory_space<hbm>>)
      tpu.yield
    }) : () -> ()
    %scan3A = arith.constant 0 : i32
    %scan3A_51 = arith.constant 0 : i32
    %scan3A_52 = arith.constant 10 : i32
    %scan3A_53 = arith.addi %scan3A_51, %scan3A_52 : i32
    %scan3A_54 = arith.constant 1 : i32
    scf.for %scan3A_122 = %scan3A_51 to %scan3A_53 step %scan3A_54  : i32 {
      %gt3A = arith.constant 0 : i32
      %gt3A_123 = arith.cmpi sgt, %scan3A_122, %gt3A : i32
      %convert_element_type3A = arith.extui %gt3A_123 : i1 to i32
      %cond3A = arith.constant 0 : i32
      %cond3A_124 = arith.cmpi ne, %convert_element_type3A, %cond3A : i32
      scf.if %cond3A_124 {
        %mul3A_290 = arith.constant 6400 : i32
        %mul3A_291 = arith.muli %add3A, %mul3A_290 : i32
        %dma_wait3A_292 = arith.constant 0 : i32
        %dma_wait3A_293 = tpu.memref_slice %arg17[%mul3A_291, %dma_wait3A_292] : memref<204800x128xf32, #tpu.memory_space<hbm>> -> memref<128x128xf32, #tpu.memory_space<hbm>>
        %dma_wait3A_294 = arith.constant 0 : i32
        %dma_wait3A_295 = tpu.memref_slice %arg17[%mul3A_291, %dma_wait3A_294] : memref<204800x128xf32, #tpu.memory_space<hbm>> -> memref<128x128xf32, #tpu.memory_space<hbm>>
        tpu.wait_dma2 semaphore(%arg34 : memref<!tpu.dma_semaphore, #tpu.memory_space<semaphore_mem>>) src(%dma_wait3A_295 : memref<128x128xf32, #tpu.memory_space<hbm>>) dst(%arg24 : memref<128x128xf32, #tpu.memory_space<vmem>>)
      } else {
      }
      %mul3A_125 = arith.constant 5 : i32
      %mul3A_126 = arith.muli %mul3A_125, %scan3A_122 : i32
      %add3A_127 = arith.constant 0 : i32
      %add3A_128 = arith.addi %mul3A_126, %add3A_127 : i32
      %dma_start3A_129 = arith.constant 0 : i32
      %dma_start3A_130 = tpu.memref_slice %arg21[%add3A_128, %dma_start3A_129] : memref<50x128xi32, #tpu.memory_space<vmem>> -> memref<1x128xi32, #tpu.memory_space<vmem>>
      %dma_start3A_131 = tpu.memref_squeeze %dma_start3A_130 : memref<1x128xi32, #tpu.memory_space<vmem>> -> memref<128xi32, #tpu.memory_space<vmem>>
      %dma_start3A_132 = arith.constant 0 : i32
      %dma_start3A_133 = arith.constant 0 : i32
      %dma_start3A_134 = tpu.memref_slice %arg9[%dma_start3A_132, %dma_start3A_133] : memref<100000x128xf32, #tpu.memory_space<hbm>> -> memref<100000x128xf32, #tpu.memory_space<hbm>>
      tpu.enqueue_indirect_dma source(%dma_start3A_134 : memref<100000x128xf32, #tpu.memory_space<hbm>>) target(%arg24 : memref<128x128xf32, #tpu.memory_space<vmem>>) offsets(%dma_start3A_131 : memref<128xi32, #tpu.memory_space<vmem>>) semaphore(%arg29 : memref<!tpu.dma_semaphore, #tpu.memory_space<semaphore_mem>>)
      %gt3A_135 = arith.constant 0 : i32
      %gt3A_136 = arith.cmpi sgt, %scan3A_122, %gt3A_135 : i32
      %convert_element_type3A_137 = arith.extui %gt3A_136 : i1 to i32
      %cond3A_138 = arith.constant 0 : i32
      %cond3A_139 = arith.cmpi ne, %convert_element_type3A_137, %cond3A_138 : i32
      scf.if %cond3A_139 {
        %mul3A_290 = arith.constant 6400 : i32
        %mul3A_291 = arith.muli %add3A, %mul3A_290 : i32
        %dma_wait3A_292 = arith.constant 0 : i32
        %dma_wait3A_293 = tpu.memref_slice %arg17[%mul3A_291, %dma_wait3A_292] : memref<204800x128xf32, #tpu.memory_space<hbm>> -> memref<128x128xf32, #tpu.memory_space<hbm>>
        %dma_wait3A_294 = arith.constant 0 : i32
        %dma_wait3A_295 = tpu.memref_slice %arg17[%mul3A_291, %dma_wait3A_294] : memref<204800x128xf32, #tpu.memory_space<hbm>> -> memref<128x128xf32, #tpu.memory_space<hbm>>
        tpu.wait_dma2 semaphore(%arg35 : memref<!tpu.dma_semaphore, #tpu.memory_space<semaphore_mem>>) src(%dma_wait3A_295 : memref<128x128xf32, #tpu.memory_space<hbm>>) dst(%arg25 : memref<128x128xf32, #tpu.memory_space<vmem>>)
      } else {
      }
      %mul3A_140 = arith.constant 5 : i32
      %mul3A_141 = arith.muli %mul3A_140, %scan3A_122 : i32
      %add3A_142 = arith.constant 1 : i32
      %add3A_143 = arith.addi %mul3A_141, %add3A_142 : i32
      %dma_start3A_144 = arith.constant 0 : i32
      %dma_start3A_145 = tpu.memref_slice %arg21[%add3A_143, %dma_start3A_144] : memref<50x128xi32, #tpu.memory_space<vmem>> -> memref<1x128xi32, #tpu.memory_space<vmem>>
      %dma_start3A_146 = tpu.memref_squeeze %dma_start3A_145 : memref<1x128xi32, #tpu.memory_space<vmem>> -> memref<128xi32, #tpu.memory_space<vmem>>
      %dma_start3A_147 = arith.constant 0 : i32
      %dma_start3A_148 = arith.constant 0 : i32
      %dma_start3A_149 = tpu.memref_slice %arg9[%dma_start3A_147, %dma_start3A_148] : memref<100000x128xf32, #tpu.memory_space<hbm>> -> memref<100000x128xf32, #tpu.memory_space<hbm>>
      tpu.enqueue_indirect_dma source(%dma_start3A_149 : memref<100000x128xf32, #tpu.memory_space<hbm>>) target(%arg25 : memref<128x128xf32, #tpu.memory_space<vmem>>) offsets(%dma_start3A_146 : memref<128xi32, #tpu.memory_space<vmem>>) semaphore(%arg30 : memref<!tpu.dma_semaphore, #tpu.memory_space<semaphore_mem>>)
      %gt3A_150 = arith.constant 0 : i32
      %gt3A_151 = arith.cmpi sgt, %scan3A_122, %gt3A_150 : i32
      %convert_element_type3A_152 = arith.extui %gt3A_151 : i1 to i32
      %cond3A_153 = arith.constant 0 : i32
      %cond3A_154 = arith.cmpi ne, %convert_element_type3A_152, %cond3A_153 : i32
      scf.if %cond3A_154 {
        %mul3A_290 = arith.constant 6400 : i32
        %mul3A_291 = arith.muli %add3A, %mul3A_290 : i32
        %dma_wait3A_292 = arith.constant 0 : i32
        %dma_wait3A_293 = tpu.memref_slice %arg17[%mul3A_291, %dma_wait3A_292] : memref<204800x128xf32, #tpu.memory_space<hbm>> -> memref<128x128xf32, #tpu.memory_space<hbm>>
        %dma_wait3A_294 = arith.constant 0 : i32
        %dma_wait3A_295 = tpu.memref_slice %arg17[%mul3A_291, %dma_wait3A_294] : memref<204800x128xf32, #tpu.memory_space<hbm>> -> memref<128x128xf32, #tpu.memory_space<hbm>>
        tpu.wait_dma2 semaphore(%arg36 : memref<!tpu.dma_semaphore, #tpu.memory_space<semaphore_mem>>) src(%dma_wait3A_295 : memref<128x128xf32, #tpu.memory_space<hbm>>) dst(%arg26 : memref<128x128xf32, #tpu.memory_space<vmem>>)
      } else {
      }
      %mul3A_155 = arith.constant 5 : i32
      %mul3A_156 = arith.muli %mul3A_155, %scan3A_122 : i32
      %add3A_157 = arith.constant 2 : i32
      %add3A_158 = arith.addi %mul3A_156, %add3A_157 : i32
      %dma_start3A_159 = arith.constant 0 : i32
      %dma_start3A_160 = tpu.memref_slice %arg21[%add3A_158, %dma_start3A_159] : memref<50x128xi32, #tpu.memory_space<vmem>> -> memref<1x128xi32, #tpu.memory_space<vmem>>
      %dma_start3A_161 = tpu.memref_squeeze %dma_start3A_160 : memref<1x128xi32, #tpu.memory_space<vmem>> -> memref<128xi32, #tpu.memory_space<vmem>>
      %dma_start3A_162 = arith.constant 0 : i32
      %dma_start3A_163 = arith.constant 0 : i32
      %dma_start3A_164 = tpu.memref_slice %arg9[%dma_start3A_162, %dma_start3A_163] : memref<100000x128xf32, #tpu.memory_space<hbm>> -> memref<100000x128xf32, #tpu.memory_space<hbm>>
      tpu.enqueue_indirect_dma source(%dma_start3A_164 : memref<100000x128xf32, #tpu.memory_space<hbm>>) target(%arg26 : memref<128x128xf32, #tpu.memory_space<vmem>>) offsets(%dma_start3A_161 : memref<128xi32, #tpu.memory_space<vmem>>) semaphore(%arg31 : memref<!tpu.dma_semaphore, #tpu.memory_space<semaphore_mem>>)
      %gt3A_165 = arith.constant 0 : i32
      %gt3A_166 = arith.cmpi sgt, %scan3A_122, %gt3A_165 : i32
      %convert_element_type3A_167 = arith.extui %gt3A_166 : i1 to i32
      %cond3A_168 = arith.constant 0 : i32
      %cond3A_169 = arith.cmpi ne, %convert_element_type3A_167, %cond3A_168 : i32
      scf.if %cond3A_169 {
        %mul3A_290 = arith.constant 6400 : i32
        %mul3A_291 = arith.muli %add3A, %mul3A_290 : i32
        %dma_wait3A_292 = arith.constant 0 : i32
        %dma_wait3A_293 = tpu.memref_slice %arg17[%mul3A_291, %dma_wait3A_292] : memref<204800x128xf32, #tpu.memory_space<hbm>> -> memref<128x128xf32, #tpu.memory_space<hbm>>
        %dma_wait3A_294 = arith.constant 0 : i32
        %dma_wait3A_295 = tpu.memref_slice %arg17[%mul3A_291, %dma_wait3A_294] : memref<204800x128xf32, #tpu.memory_space<hbm>> -> memref<128x128xf32, #tpu.memory_space<hbm>>
        tpu.wait_dma2 semaphore(%arg37 : memref<!tpu.dma_semaphore, #tpu.memory_space<semaphore_mem>>) src(%dma_wait3A_295 : memref<128x128xf32, #tpu.memory_space<hbm>>) dst(%arg27 : memref<128x128xf32, #tpu.memory_space<vmem>>)
      } else {
      }
      %mul3A_170 = arith.constant 5 : i32
      %mul3A_171 = arith.muli %mul3A_170, %scan3A_122 : i32
      %add3A_172 = arith.constant 3 : i32
      %add3A_173 = arith.addi %mul3A_171, %add3A_172 : i32
      %dma_start3A_174 = arith.constant 0 : i32
      %dma_start3A_175 = tpu.memref_slice %arg21[%add3A_173, %dma_start3A_174] : memref<50x128xi32, #tpu.memory_space<vmem>> -> memref<1x128xi32, #tpu.memory_space<vmem>>
      %dma_start3A_176 = tpu.memref_squeeze %dma_start3A_175 : memref<1x128xi32, #tpu.memory_space<vmem>> -> memref<128xi32, #tpu.memory_space<vmem>>
      %dma_start3A_177 = arith.constant 0 : i32
      %dma_start3A_178 = arith.constant 0 : i32
      %dma_start3A_179 = tpu.memref_slice %arg9[%dma_start3A_177, %dma_start3A_178] : memref<100000x128xf32, #tpu.memory_space<hbm>> -> memref<100000x128xf32, #tpu.memory_space<hbm>>
      tpu.enqueue_indirect_dma source(%dma_start3A_179 : memref<100000x128xf32, #tpu.memory_space<hbm>>) target(%arg27 : memref<128x128xf32, #tpu.memory_space<vmem>>) offsets(%dma_start3A_176 : memref<128xi32, #tpu.memory_space<vmem>>) semaphore(%arg32 : memref<!tpu.dma_semaphore, #tpu.memory_space<semaphore_mem>>)
      %gt3A_180 = arith.constant 0 : i32
      %gt3A_181 = arith.cmpi sgt, %scan3A_122, %gt3A_180 : i32
      %convert_element_type3A_182 = arith.extui %gt3A_181 : i1 to i32
      %cond3A_183 = arith.constant 0 : i32
      %cond3A_184 = arith.cmpi ne, %convert_element_type3A_182, %cond3A_183 : i32
      scf.if %cond3A_184 {
        %mul3A_290 = arith.constant 6400 : i32
        %mul3A_291 = arith.muli %add3A, %mul3A_290 : i32
        %dma_wait3A_292 = arith.constant 0 : i32
        %dma_wait3A_293 = tpu.memref_slice %arg17[%mul3A_291, %dma_wait3A_292] : memref<204800x128xf32, #tpu.memory_space<hbm>> -> memref<128x128xf32, #tpu.memory_space<hbm>>
        %dma_wait3A_294 = arith.constant 0 : i32
        %dma_wait3A_295 = tpu.memref_slice %arg17[%mul3A_291, %dma_wait3A_294] : memref<204800x128xf32, #tpu.memory_space<hbm>> -> memref<128x128xf32, #tpu.memory_space<hbm>>
        tpu.wait_dma2 semaphore(%arg38 : memref<!tpu.dma_semaphore, #tpu.memory_space<semaphore_mem>>) src(%dma_wait3A_295 : memref<128x128xf32, #tpu.memory_space<hbm>>) dst(%arg28 : memref<128x128xf32, #tpu.memory_space<vmem>>)
      } else {
      }
      %mul3A_185 = arith.constant 5 : i32
      %mul3A_186 = arith.muli %mul3A_185, %scan3A_122 : i32
      %add3A_187 = arith.constant 4 : i32
      %add3A_188 = arith.addi %mul3A_186, %add3A_187 : i32
      %dma_start3A_189 = arith.constant 0 : i32
      %dma_start3A_190 = tpu.memref_slice %arg21[%add3A_188, %dma_start3A_189] : memref<50x128xi32, #tpu.memory_space<vmem>> -> memref<1x128xi32, #tpu.memory_space<vmem>>
      %dma_start3A_191 = tpu.memref_squeeze %dma_start3A_190 : memref<1x128xi32, #tpu.memory_space<vmem>> -> memref<128xi32, #tpu.memory_space<vmem>>
      %dma_start3A_192 = arith.constant 0 : i32
      %dma_start3A_193 = arith.constant 0 : i32
      %dma_start3A_194 = tpu.memref_slice %arg9[%dma_start3A_192, %dma_start3A_193] : memref<100000x128xf32, #tpu.memory_space<hbm>> -> memref<100000x128xf32, #tpu.memory_space<hbm>>
      tpu.enqueue_indirect_dma source(%dma_start3A_194 : memref<100000x128xf32, #tpu.memory_space<hbm>>) target(%arg28 : memref<128x128xf32, #tpu.memory_space<vmem>>) offsets(%dma_start3A_191 : memref<128xi32, #tpu.memory_space<vmem>>) semaphore(%arg33 : memref<!tpu.dma_semaphore, #tpu.memory_space<semaphore_mem>>)
      %dma_wait3A_195 = arith.constant 0 : i32
      %dma_wait3A_196 = tpu.memref_slice %arg21[%add3A_128, %dma_wait3A_195] : memref<50x128xi32, #tpu.memory_space<vmem>> -> memref<1x128xi32, #tpu.memory_space<vmem>>
      %dma_wait3A_197 = tpu.memref_squeeze %dma_wait3A_196 : memref<1x128xi32, #tpu.memory_space<vmem>> -> memref<128xi32, #tpu.memory_space<vmem>>
      %dma_wait3A_198 = arith.constant 0 : i32
      %dma_wait3A_199 = arith.constant 0 : i32
      %dma_wait3A_200 = tpu.memref_slice %arg9[%dma_wait3A_198, %dma_wait3A_199] : memref<100000x128xf32, #tpu.memory_space<hbm>> -> memref<100000x128xf32, #tpu.memory_space<hbm>>
      tpu.wait_indirect_dma semaphore(%arg29 : memref<!tpu.dma_semaphore, #tpu.memory_space<semaphore_mem>>) src(%dma_wait3A_200 : memref<100000x128xf32, #tpu.memory_space<hbm>>) dst(%arg24 : memref<128x128xf32, #tpu.memory_space<vmem>>)
      %mul3A_201 = arith.constant 5 : i32
      %mul3A_202 = arith.muli %mul3A_201, %scan3A_122 : i32
      %add3A_203 = arith.constant 0 : i32
      %add3A_204 = arith.addi %mul3A_202, %add3A_203 : i32
      %mul3A_205 = arith.constant 6400 : i32
      %mul3A_206 = arith.muli %add3A, %mul3A_205 : i32
      %mul3A_207 = arith.constant 128 : i32
      %mul3A_208 = arith.muli %add3A_204, %mul3A_207 : i32
      %add3A_209 = arith.addi %mul3A_206, %mul3A_208 : i32
      %dma_start3A_210 = arith.constant 0 : i32
      %dma_start3A_211 = tpu.memref_slice %arg17[%add3A_209, %dma_start3A_210] : memref<204800x128xf32, #tpu.memory_space<hbm>> -> memref<128x128xf32, #tpu.memory_space<hbm>>
      %dma_start3A_212 = arith.constant 0 : i32
      %dma_start3A_213 = tpu.memref_slice %arg17[%add3A_209, %dma_start3A_212] : memref<204800x128xf32, #tpu.memory_space<hbm>> -> memref<128x128xf32, #tpu.memory_space<hbm>>
      tpu.enqueue_dma source(%arg24 : memref<128x128xf32, #tpu.memory_space<vmem>>) target(%dma_start3A_213 : memref<128x128xf32, #tpu.memory_space<hbm>>) target_semaphore(%arg34 : memref<!tpu.dma_semaphore, #tpu.memory_space<semaphore_mem>>)
      %dma_wait3A_214 = arith.constant 0 : i32
      %dma_wait3A_215 = tpu.memref_slice %arg21[%add3A_143, %dma_wait3A_214] : memref<50x128xi32, #tpu.memory_space<vmem>> -> memref<1x128xi32, #tpu.memory_space<vmem>>
      %dma_wait3A_216 = tpu.memref_squeeze %dma_wait3A_215 : memref<1x128xi32, #tpu.memory_space<vmem>> -> memref<128xi32, #tpu.memory_space<vmem>>
      %dma_wait3A_217 = arith.constant 0 : i32
      %dma_wait3A_218 = arith.constant 0 : i32
      %dma_wait3A_219 = tpu.memref_slice %arg9[%dma_wait3A_217, %dma_wait3A_218] : memref<100000x128xf32, #tpu.memory_space<hbm>> -> memref<100000x128xf32, #tpu.memory_space<hbm>>
      tpu.wait_indirect_dma semaphore(%arg30 : memref<!tpu.dma_semaphore, #tpu.memory_space<semaphore_mem>>) src(%dma_wait3A_219 : memref<100000x128xf32, #tpu.memory_space<hbm>>) dst(%arg25 : memref<128x128xf32, #tpu.memory_space<vmem>>)
      %mul3A_220 = arith.constant 5 : i32
      %mul3A_221 = arith.muli %mul3A_220, %scan3A_122 : i32
      %add3A_222 = arith.constant 1 : i32
      %add3A_223 = arith.addi %mul3A_221, %add3A_222 : i32
      %mul3A_224 = arith.constant 6400 : i32
      %mul3A_225 = arith.muli %add3A, %mul3A_224 : i32
      %mul3A_226 = arith.constant 128 : i32
      %mul3A_227 = arith.muli %add3A_223, %mul3A_226 : i32
      %add3A_228 = arith.addi %mul3A_225, %mul3A_227 : i32
      %dma_start3A_229 = arith.constant 0 : i32
      %dma_start3A_230 = tpu.memref_slice %arg17[%add3A_228, %dma_start3A_229] : memref<204800x128xf32, #tpu.memory_space<hbm>> -> memref<128x128xf32, #tpu.memory_space<hbm>>
      %dma_start3A_231 = arith.constant 0 : i32
      %dma_start3A_232 = tpu.memref_slice %arg17[%add3A_228, %dma_start3A_231] : memref<204800x128xf32, #tpu.memory_space<hbm>> -> memref<128x128xf32, #tpu.memory_space<hbm>>
      tpu.enqueue_dma source(%arg25 : memref<128x128xf32, #tpu.memory_space<vmem>>) target(%dma_start3A_232 : memref<128x128xf32, #tpu.memory_space<hbm>>) target_semaphore(%arg35 : memref<!tpu.dma_semaphore, #tpu.memory_space<semaphore_mem>>)
      %dma_wait3A_233 = arith.constant 0 : i32
      %dma_wait3A_234 = tpu.memref_slice %arg21[%add3A_158, %dma_wait3A_233] : memref<50x128xi32, #tpu.memory_space<vmem>> -> memref<1x128xi32, #tpu.memory_space<vmem>>
      %dma_wait3A_235 = tpu.memref_squeeze %dma_wait3A_234 : memref<1x128xi32, #tpu.memory_space<vmem>> -> memref<128xi32, #tpu.memory_space<vmem>>
      %dma_wait3A_236 = arith.constant 0 : i32
      %dma_wait3A_237 = arith.constant 0 : i32
      %dma_wait3A_238 = tpu.memref_slice %arg9[%dma_wait3A_236, %dma_wait3A_237] : memref<100000x128xf32, #tpu.memory_space<hbm>> -> memref<100000x128xf32, #tpu.memory_space<hbm>>
      tpu.wait_indirect_dma semaphore(%arg31 : memref<!tpu.dma_semaphore, #tpu.memory_space<semaphore_mem>>) src(%dma_wait3A_238 : memref<100000x128xf32, #tpu.memory_space<hbm>>) dst(%arg26 : memref<128x128xf32, #tpu.memory_space<vmem>>)
      %mul3A_239 = arith.constant 5 : i32
      %mul3A_240 = arith.muli %mul3A_239, %scan3A_122 : i32
      %add3A_241 = arith.constant 2 : i32
      %add3A_242 = arith.addi %mul3A_240, %add3A_241 : i32
      %mul3A_243 = arith.constant 6400 : i32
      %mul3A_244 = arith.muli %add3A, %mul3A_243 : i32
      %mul3A_245 = arith.constant 128 : i32
      %mul3A_246 = arith.muli %add3A_242, %mul3A_245 : i32
      %add3A_247 = arith.addi %mul3A_244, %mul3A_246 : i32
      %dma_start3A_248 = arith.constant 0 : i32
      %dma_start3A_249 = tpu.memref_slice %arg17[%add3A_247, %dma_start3A_248] : memref<204800x128xf32, #tpu.memory_space<hbm>> -> memref<128x128xf32, #tpu.memory_space<hbm>>
      %dma_start3A_250 = arith.constant 0 : i32
      %dma_start3A_251 = tpu.memref_slice %arg17[%add3A_247, %dma_start3A_250] : memref<204800x128xf32, #tpu.memory_space<hbm>> -> memref<128x128xf32, #tpu.memory_space<hbm>>
      tpu.enqueue_dma source(%arg26 : memref<128x128xf32, #tpu.memory_space<vmem>>) target(%dma_start3A_251 : memref<128x128xf32, #tpu.memory_space<hbm>>) target_semaphore(%arg36 : memref<!tpu.dma_semaphore, #tpu.memory_space<semaphore_mem>>)
      %dma_wait3A_252 = arith.constant 0 : i32
      %dma_wait3A_253 = tpu.memref_slice %arg21[%add3A_173, %dma_wait3A_252] : memref<50x128xi32, #tpu.memory_space<vmem>> -> memref<1x128xi32, #tpu.memory_space<vmem>>
      %dma_wait3A_254 = tpu.memref_squeeze %dma_wait3A_253 : memref<1x128xi32, #tpu.memory_space<vmem>> -> memref<128xi32, #tpu.memory_space<vmem>>
      %dma_wait3A_255 = arith.constant 0 : i32
      %dma_wait3A_256 = arith.constant 0 : i32
      %dma_wait3A_257 = tpu.memref_slice %arg9[%dma_wait3A_255, %dma_wait3A_256] : memref<100000x128xf32, #tpu.memory_space<hbm>> -> memref<100000x128xf32, #tpu.memory_space<hbm>>
      tpu.wait_indirect_dma semaphore(%arg32 : memref<!tpu.dma_semaphore, #tpu.memory_space<semaphore_mem>>) src(%dma_wait3A_257 : memref<100000x128xf32, #tpu.memory_space<hbm>>) dst(%arg27 : memref<128x128xf32, #tpu.memory_space<vmem>>)
      %mul3A_258 = arith.constant 5 : i32
      %mul3A_259 = arith.muli %mul3A_258, %scan3A_122 : i32
      %add3A_260 = arith.constant 3 : i32
      %add3A_261 = arith.addi %mul3A_259, %add3A_260 : i32
      %mul3A_262 = arith.constant 6400 : i32
      %mul3A_263 = arith.muli %add3A, %mul3A_262 : i32
      %mul3A_264 = arith.constant 128 : i32
      %mul3A_265 = arith.muli %add3A_261, %mul3A_264 : i32
      %add3A_266 = arith.addi %mul3A_263, %mul3A_265 : i32
      %dma_start3A_267 = arith.constant 0 : i32
      %dma_start3A_268 = tpu.memref_slice %arg17[%add3A_266, %dma_start3A_267] : memref<204800x128xf32, #tpu.memory_space<hbm>> -> memref<128x128xf32, #tpu.memory_space<hbm>>
      %dma_start3A_269 = arith.constant 0 : i32
      %dma_start3A_270 = tpu.memref_slice %arg17[%add3A_266, %dma_start3A_269] : memref<204800x128xf32, #tpu.memory_space<hbm>> -> memref<128x128xf32, #tpu.memory_space<hbm>>
      tpu.enqueue_dma source(%arg27 : memref<128x128xf32, #tpu.memory_space<vmem>>) target(%dma_start3A_270 : memref<128x128xf32, #tpu.memory_space<hbm>>) target_semaphore(%arg37 : memref<!tpu.dma_semaphore, #tpu.memory_space<semaphore_mem>>)
      %dma_wait3A_271 = arith.constant 0 : i32
      %dma_wait3A_272 = tpu.memref_slice %arg21[%add3A_188, %dma_wait3A_271] : memref<50x128xi32, #tpu.memory_space<vmem>> -> memref<1x128xi32, #tpu.memory_space<vmem>>
      %dma_wait3A_273 = tpu.memref_squeeze %dma_wait3A_272 : memref<1x128xi32, #tpu.memory_space<vmem>> -> memref<128xi32, #tpu.memory_space<vmem>>
      %dma_wait3A_274 = arith.constant 0 : i32
      %dma_wait3A_275 = arith.constant 0 : i32
      %dma_wait3A_276 = tpu.memref_slice %arg9[%dma_wait3A_274, %dma_wait3A_275] : memref<100000x128xf32, #tpu.memory_space<hbm>> -> memref<100000x128xf32, #tpu.memory_space<hbm>>
      tpu.wait_indirect_dma semaphore(%arg33 : memref<!tpu.dma_semaphore, #tpu.memory_space<semaphore_mem>>) src(%dma_wait3A_276 : memref<100000x128xf32, #tpu.memory_space<hbm>>) dst(%arg28 : memref<128x128xf32, #tpu.memory_space<vmem>>)
      %mul3A_277 = arith.constant 5 : i32
      %mul3A_278 = arith.muli %mul3A_277, %scan3A_122 : i32
      %add3A_279 = arith.constant 4 : i32
      %add3A_280 = arith.addi %mul3A_278, %add3A_279 : i32
      %mul3A_281 = arith.constant 6400 : i32
      %mul3A_282 = arith.muli %add3A, %mul3A_281 : i32
      %mul3A_283 = arith.constant 128 : i32
      %mul3A_284 = arith.muli %add3A_280, %mul3A_283 : i32
      %add3A_285 = arith.addi %mul3A_282, %mul3A_284 : i32
      %dma_start3A_286 = arith.constant 0 : i32
      %dma_start3A_287 = tpu.memref_slice %arg17[%add3A_285, %dma_start3A_286] : memref<204800x128xf32, #tpu.memory_space<hbm>> -> memref<128x128xf32, #tpu.memory_space<hbm>>
      %dma_start3A_288 = arith.constant 0 : i32
      %dma_start3A_289 = tpu.memref_slice %arg17[%add3A_285, %dma_start3A_288] : memref<204800x128xf32, #tpu.memory_space<hbm>> -> memref<128x128xf32, #tpu.memory_space<hbm>>
      tpu.enqueue_dma source(%arg28 : memref<128x128xf32, #tpu.memory_space<vmem>>) target(%dma_start3A_289 : memref<128x128xf32, #tpu.memory_space<hbm>>) target_semaphore(%arg38 : memref<!tpu.dma_semaphore, #tpu.memory_space<semaphore_mem>>)
    }
    %scan3A_55 = arith.constant 10 : i32
    %mul3A_56 = arith.constant 6400 : i32
    %mul3A_57 = arith.muli %add3A, %mul3A_56 : i32
    %dma_wait3A_58 = arith.constant 0 : i32
    %dma_wait3A_59 = tpu.memref_slice %arg17[%mul3A_57, %dma_wait3A_58] : memref<204800x128xf32, #tpu.memory_space<hbm>> -> memref<128x128xf32, #tpu.memory_space<hbm>>
    %dma_wait3A_60 = arith.constant 0 : i32
    %dma_wait3A_61 = tpu.memref_slice %arg17[%mul3A_57, %dma_wait3A_60] : memref<204800x128xf32, #tpu.memory_space<hbm>> -> memref<128x128xf32, #tpu.memory_space<hbm>>
    tpu.wait_dma2 semaphore(%arg34 : memref<!tpu.dma_semaphore, #tpu.memory_space<semaphore_mem>>) src(%dma_wait3A_61 : memref<128x128xf32, #tpu.memory_space<hbm>>) dst(%arg24 : memref<128x128xf32, #tpu.memory_space<vmem>>)
    %mul3A_62 = arith.constant 6400 : i32
    %mul3A_63 = arith.muli %add3A, %mul3A_62 : i32
    %dma_wait3A_64 = arith.constant 0 : i32
    %dma_wait3A_65 = tpu.memref_slice %arg17[%mul3A_63, %dma_wait3A_64] : memref<204800x128xf32, #tpu.memory_space<hbm>> -> memref<128x128xf32, #tpu.memory_space<hbm>>
    %dma_wait3A_66 = arith.constant 0 : i32
    %dma_wait3A_67 = tpu.memref_slice %arg17[%mul3A_63, %dma_wait3A_66] : memref<204800x128xf32, #tpu.memory_space<hbm>> -> memref<128x128xf32, #tpu.memory_space<hbm>>
    tpu.wait_dma2 semaphore(%arg35 : memref<!tpu.dma_semaphore, #tpu.memory_space<semaphore_mem>>) src(%dma_wait3A_67 : memref<128x128xf32, #tpu.memory_space<hbm>>) dst(%arg25 : memref<128x128xf32, #tpu.memory_space<vmem>>)
    %mul3A_68 = arith.constant 6400 : i32
    %mul3A_69 = arith.muli %add3A, %mul3A_68 : i32
    %dma_wait3A_70 = arith.constant 0 : i32
    %dma_wait3A_71 = tpu.memref_slice %arg17[%mul3A_69, %dma_wait3A_70] : memref<204800x128xf32, #tpu.memory_space<hbm>> -> memref<128x128xf32, #tpu.memory_space<hbm>>
    %dma_wait3A_72 = arith.constant 0 : i32
    %dma_wait3A_73 = tpu.memref_slice %arg17[%mul3A_69, %dma_wait3A_72] : memref<204800x128xf32, #tpu.memory_space<hbm>> -> memref<128x128xf32, #tpu.memory_space<hbm>>
    tpu.wait_dma2 semaphore(%arg36 : memref<!tpu.dma_semaphore, #tpu.memory_space<semaphore_mem>>) src(%dma_wait3A_73 : memref<128x128xf32, #tpu.memory_space<hbm>>) dst(%arg26 : memref<128x128xf32, #tpu.memory_space<vmem>>)
    %mul3A_74 = arith.constant 6400 : i32
    %mul3A_75 = arith.muli %add3A, %mul3A_74 : i32
    %dma_wait3A_76 = arith.constant 0 : i32
    %dma_wait3A_77 = tpu.memref_slice %arg17[%mul3A_75, %dma_wait3A_76] : memref<204800x128xf32, #tpu.memory_space<hbm>> -> memref<128x128xf32, #tpu.memory_space<hbm>>
    %dma_wait3A_78 = arith.constant 0 : i32
    %dma_wait3A_79 = tpu.memref_slice %arg17[%mul3A_75, %dma_wait3A_78] : memref<204800x128xf32, #tpu.memory_space<hbm>> -> memref<128x128xf32, #tpu.memory_space<hbm>>
    tpu.wait_dma2 semaphore(%arg37 : memref<!tpu.dma_semaphore, #tpu.memory_space<semaphore_mem>>) src(%dma_wait3A_79 : memref<128x128xf32, #tpu.memory_space<hbm>>) dst(%arg27 : memref<128x128xf32, #tpu.memory_space<vmem>>)
    %mul3A_80 = arith.constant 6400 : i32
    %mul3A_81 = arith.muli %add3A, %mul3A_80 : i32
    %dma_wait3A_82 = arith.constant 0 : i32
    %dma_wait3A_83 = tpu.memref_slice %arg17[%mul3A_81, %dma_wait3A_82] : memref<204800x128xf32, #tpu.memory_space<hbm>> -> memref<128x128xf32, #tpu.memory_space<hbm>>
    %dma_wait3A_84 = arith.constant 0 : i32
    %dma_wait3A_85 = tpu.memref_slice %arg17[%mul3A_81, %dma_wait3A_84] : memref<204800x128xf32, #tpu.memory_space<hbm>> -> memref<128x128xf32, #tpu.memory_space<hbm>>
    tpu.wait_dma2 semaphore(%arg38 : memref<!tpu.dma_semaphore, #tpu.memory_space<semaphore_mem>>) src(%dma_wait3A_85 : memref<128x128xf32, #tpu.memory_space<hbm>>) dst(%arg28 : memref<128x128xf32, #tpu.memory_space<vmem>>)
    %scan3A_86 = arith.constant 0 : i32
    %scan3A_87 = arith.constant 0 : i32
    %scan3A_88 = arith.constant 10 : i32
    %scan3A_89 = arith.addi %scan3A_87, %scan3A_88 : i32
    %scan3A_90 = arith.constant 1 : i32
    scf.for %scan3A_122 = %scan3A_87 to %scan3A_89 step %scan3A_90  : i32 {
      %gt3A = arith.constant 0 : i32
      %gt3A_123 = arith.cmpi sgt, %scan3A_122, %gt3A : i32
      %convert_element_type3A = arith.extui %gt3A_123 : i1 to i32
      %cond3A = arith.constant 0 : i32
      %cond3A_124 = arith.cmpi ne, %convert_element_type3A, %cond3A : i32
      scf.if %cond3A_124 {
        %mul3A_290 = arith.constant 6400 : i32
        %mul3A_291 = arith.muli %add3A, %mul3A_290 : i32
        %dma_wait3A_292 = arith.constant 0 : i32
        %dma_wait3A_293 = tpu.memref_slice %arg18[%mul3A_291, %dma_wait3A_292] : memref<204800x128xf32, #tpu.memory_space<hbm>> -> memref<128x128xf32, #tpu.memory_space<hbm>>
        %dma_wait3A_294 = arith.constant 0 : i32
        %dma_wait3A_295 = tpu.memref_slice %arg18[%mul3A_291, %dma_wait3A_294] : memref<204800x128xf32, #tpu.memory_space<hbm>> -> memref<128x128xf32, #tpu.memory_space<hbm>>
        tpu.wait_dma2 semaphore(%arg34 : memref<!tpu.dma_semaphore, #tpu.memory_space<semaphore_mem>>) src(%dma_wait3A_295 : memref<128x128xf32, #tpu.memory_space<hbm>>) dst(%arg24 : memref<128x128xf32, #tpu.memory_space<vmem>>)
      } else {
      }
      %mul3A_125 = arith.constant 5 : i32
      %mul3A_126 = arith.muli %mul3A_125, %scan3A_122 : i32
      %add3A_127 = arith.constant 0 : i32
      %add3A_128 = arith.addi %mul3A_126, %add3A_127 : i32
      %dma_start3A_129 = arith.constant 0 : i32
      %dma_start3A_130 = tpu.memref_slice %arg21[%add3A_128, %dma_start3A_129] : memref<50x128xi32, #tpu.memory_space<vmem>> -> memref<1x128xi32, #tpu.memory_space<vmem>>
      %dma_start3A_131 = tpu.memref_squeeze %dma_start3A_130 : memref<1x128xi32, #tpu.memory_space<vmem>> -> memref<128xi32, #tpu.memory_space<vmem>>
      %dma_start3A_132 = arith.constant 0 : i32
      %dma_start3A_133 = arith.constant 0 : i32
      %dma_start3A_134 = tpu.memref_slice %arg10[%dma_start3A_132, %dma_start3A_133] : memref<100000x128xf32, #tpu.memory_space<hbm>> -> memref<100000x128xf32, #tpu.memory_space<hbm>>
      tpu.enqueue_indirect_dma source(%dma_start3A_134 : memref<100000x128xf32, #tpu.memory_space<hbm>>) target(%arg24 : memref<128x128xf32, #tpu.memory_space<vmem>>) offsets(%dma_start3A_131 : memref<128xi32, #tpu.memory_space<vmem>>) semaphore(%arg29 : memref<!tpu.dma_semaphore, #tpu.memory_space<semaphore_mem>>)
      %gt3A_135 = arith.constant 0 : i32
      %gt3A_136 = arith.cmpi sgt, %scan3A_122, %gt3A_135 : i32
      %convert_element_type3A_137 = arith.extui %gt3A_136 : i1 to i32
      %cond3A_138 = arith.constant 0 : i32
      %cond3A_139 = arith.cmpi ne, %convert_element_type3A_137, %cond3A_138 : i32
      scf.if %cond3A_139 {
        %mul3A_290 = arith.constant 6400 : i32
        %mul3A_291 = arith.muli %add3A, %mul3A_290 : i32
        %dma_wait3A_292 = arith.constant 0 : i32
        %dma_wait3A_293 = tpu.memref_slice %arg18[%mul3A_291, %dma_wait3A_292] : memref<204800x128xf32, #tpu.memory_space<hbm>> -> memref<128x128xf32, #tpu.memory_space<hbm>>
        %dma_wait3A_294 = arith.constant 0 : i32
        %dma_wait3A_295 = tpu.memref_slice %arg18[%mul3A_291, %dma_wait3A_294] : memref<204800x128xf32, #tpu.memory_space<hbm>> -> memref<128x128xf32, #tpu.memory_space<hbm>>
        tpu.wait_dma2 semaphore(%arg35 : memref<!tpu.dma_semaphore, #tpu.memory_space<semaphore_mem>>) src(%dma_wait3A_295 : memref<128x128xf32, #tpu.memory_space<hbm>>) dst(%arg25 : memref<128x128xf32, #tpu.memory_space<vmem>>)
      } else {
      }
      %mul3A_140 = arith.constant 5 : i32
      %mul3A_141 = arith.muli %mul3A_140, %scan3A_122 : i32
      %add3A_142 = arith.constant 1 : i32
      %add3A_143 = arith.addi %mul3A_141, %add3A_142 : i32
      %dma_start3A_144 = arith.constant 0 : i32
      %dma_start3A_145 = tpu.memref_slice %arg21[%add3A_143, %dma_start3A_144] : memref<50x128xi32, #tpu.memory_space<vmem>> -> memref<1x128xi32, #tpu.memory_space<vmem>>
      %dma_start3A_146 = tpu.memref_squeeze %dma_start3A_145 : memref<1x128xi32, #tpu.memory_space<vmem>> -> memref<128xi32, #tpu.memory_space<vmem>>
      %dma_start3A_147 = arith.constant 0 : i32
      %dma_start3A_148 = arith.constant 0 : i32
      %dma_start3A_149 = tpu.memref_slice %arg10[%dma_start3A_147, %dma_start3A_148] : memref<100000x128xf32, #tpu.memory_space<hbm>> -> memref<100000x128xf32, #tpu.memory_space<hbm>>
      tpu.enqueue_indirect_dma source(%dma_start3A_149 : memref<100000x128xf32, #tpu.memory_space<hbm>>) target(%arg25 : memref<128x128xf32, #tpu.memory_space<vmem>>) offsets(%dma_start3A_146 : memref<128xi32, #tpu.memory_space<vmem>>) semaphore(%arg30 : memref<!tpu.dma_semaphore, #tpu.memory_space<semaphore_mem>>)
      %gt3A_150 = arith.constant 0 : i32
      %gt3A_151 = arith.cmpi sgt, %scan3A_122, %gt3A_150 : i32
      %convert_element_type3A_152 = arith.extui %gt3A_151 : i1 to i32
      %cond3A_153 = arith.constant 0 : i32
      %cond3A_154 = arith.cmpi ne, %convert_element_type3A_152, %cond3A_153 : i32
      scf.if %cond3A_154 {
        %mul3A_290 = arith.constant 6400 : i32
        %mul3A_291 = arith.muli %add3A, %mul3A_290 : i32
        %dma_wait3A_292 = arith.constant 0 : i32
        %dma_wait3A_293 = tpu.memref_slice %arg18[%mul3A_291, %dma_wait3A_292] : memref<204800x128xf32, #tpu.memory_space<hbm>> -> memref<128x128xf32, #tpu.memory_space<hbm>>
        %dma_wait3A_294 = arith.constant 0 : i32
        %dma_wait3A_295 = tpu.memref_slice %arg18[%mul3A_291, %dma_wait3A_294] : memref<204800x128xf32, #tpu.memory_space<hbm>> -> memref<128x128xf32, #tpu.memory_space<hbm>>
        tpu.wait_dma2 semaphore(%arg36 : memref<!tpu.dma_semaphore, #tpu.memory_space<semaphore_mem>>) src(%dma_wait3A_295 : memref<128x128xf32, #tpu.memory_space<hbm>>) dst(%arg26 : memref<128x128xf32, #tpu.memory_space<vmem>>)
      } else {
      }
      %mul3A_155 = arith.constant 5 : i32
      %mul3A_156 = arith.muli %mul3A_155, %scan3A_122 : i32
      %add3A_157 = arith.constant 2 : i32
      %add3A_158 = arith.addi %mul3A_156, %add3A_157 : i32
      %dma_start3A_159 = arith.constant 0 : i32
      %dma_start3A_160 = tpu.memref_slice %arg21[%add3A_158, %dma_start3A_159] : memref<50x128xi32, #tpu.memory_space<vmem>> -> memref<1x128xi32, #tpu.memory_space<vmem>>
      %dma_start3A_161 = tpu.memref_squeeze %dma_start3A_160 : memref<1x128xi32, #tpu.memory_space<vmem>> -> memref<128xi32, #tpu.memory_space<vmem>>
      %dma_start3A_162 = arith.constant 0 : i32
      %dma_start3A_163 = arith.constant 0 : i32
      %dma_start3A_164 = tpu.memref_slice %arg10[%dma_start3A_162, %dma_start3A_163] : memref<100000x128xf32, #tpu.memory_space<hbm>> -> memref<100000x128xf32, #tpu.memory_space<hbm>>
      tpu.enqueue_indirect_dma source(%dma_start3A_164 : memref<100000x128xf32, #tpu.memory_space<hbm>>) target(%arg26 : memref<128x128xf32, #tpu.memory_space<vmem>>) offsets(%dma_start3A_161 : memref<128xi32, #tpu.memory_space<vmem>>) semaphore(%arg31 : memref<!tpu.dma_semaphore, #tpu.memory_space<semaphore_mem>>)
      %gt3A_165 = arith.constant 0 : i32
      %gt3A_166 = arith.cmpi sgt, %scan3A_122, %gt3A_165 : i32
      %convert_element_type3A_167 = arith.extui %gt3A_166 : i1 to i32
      %cond3A_168 = arith.constant 0 : i32
      %cond3A_169 = arith.cmpi ne, %convert_element_type3A_167, %cond3A_168 : i32
      scf.if %cond3A_169 {
        %mul3A_290 = arith.constant 6400 : i32
        %mul3A_291 = arith.muli %add3A, %mul3A_290 : i32
        %dma_wait3A_292 = arith.constant 0 : i32
        %dma_wait3A_293 = tpu.memref_slice %arg18[%mul3A_291, %dma_wait3A_292] : memref<204800x128xf32, #tpu.memory_space<hbm>> -> memref<128x128xf32, #tpu.memory_space<hbm>>
        %dma_wait3A_294 = arith.constant 0 : i32
        %dma_wait3A_295 = tpu.memref_slice %arg18[%mul3A_291, %dma_wait3A_294] : memref<204800x128xf32, #tpu.memory_space<hbm>> -> memref<128x128xf32, #tpu.memory_space<hbm>>
        tpu.wait_dma2 semaphore(%arg37 : memref<!tpu.dma_semaphore, #tpu.memory_space<semaphore_mem>>) src(%dma_wait3A_295 : memref<128x128xf32, #tpu.memory_space<hbm>>) dst(%arg27 : memref<128x128xf32, #tpu.memory_space<vmem>>)
      } else {
      }
      %mul3A_170 = arith.constant 5 : i32
      %mul3A_171 = arith.muli %mul3A_170, %scan3A_122 : i32
      %add3A_172 = arith.constant 3 : i32
      %add3A_173 = arith.addi %mul3A_171, %add3A_172 : i32
      %dma_start3A_174 = arith.constant 0 : i32
      %dma_start3A_175 = tpu.memref_slice %arg21[%add3A_173, %dma_start3A_174] : memref<50x128xi32, #tpu.memory_space<vmem>> -> memref<1x128xi32, #tpu.memory_space<vmem>>
      %dma_start3A_176 = tpu.memref_squeeze %dma_start3A_175 : memref<1x128xi32, #tpu.memory_space<vmem>> -> memref<128xi32, #tpu.memory_space<vmem>>
      %dma_start3A_177 = arith.constant 0 : i32
      %dma_start3A_178 = arith.constant 0 : i32
      %dma_start3A_179 = tpu.memref_slice %arg10[%dma_start3A_177, %dma_start3A_178] : memref<100000x128xf32, #tpu.memory_space<hbm>> -> memref<100000x128xf32, #tpu.memory_space<hbm>>
      tpu.enqueue_indirect_dma source(%dma_start3A_179 : memref<100000x128xf32, #tpu.memory_space<hbm>>) target(%arg27 : memref<128x128xf32, #tpu.memory_space<vmem>>) offsets(%dma_start3A_176 : memref<128xi32, #tpu.memory_space<vmem>>) semaphore(%arg32 : memref<!tpu.dma_semaphore, #tpu.memory_space<semaphore_mem>>)
      %gt3A_180 = arith.constant 0 : i32
      %gt3A_181 = arith.cmpi sgt, %scan3A_122, %gt3A_180 : i32
      %convert_element_type3A_182 = arith.extui %gt3A_181 : i1 to i32
      %cond3A_183 = arith.constant 0 : i32
      %cond3A_184 = arith.cmpi ne, %convert_element_type3A_182, %cond3A_183 : i32
      scf.if %cond3A_184 {
        %mul3A_290 = arith.constant 6400 : i32
        %mul3A_291 = arith.muli %add3A, %mul3A_290 : i32
        %dma_wait3A_292 = arith.constant 0 : i32
        %dma_wait3A_293 = tpu.memref_slice %arg18[%mul3A_291, %dma_wait3A_292] : memref<204800x128xf32, #tpu.memory_space<hbm>> -> memref<128x128xf32, #tpu.memory_space<hbm>>
        %dma_wait3A_294 = arith.constant 0 : i32
        %dma_wait3A_295 = tpu.memref_slice %arg18[%mul3A_291, %dma_wait3A_294] : memref<204800x128xf32, #tpu.memory_space<hbm>> -> memref<128x128xf32, #tpu.memory_space<hbm>>
        tpu.wait_dma2 semaphore(%arg38 : memref<!tpu.dma_semaphore, #tpu.memory_space<semaphore_mem>>) src(%dma_wait3A_295 : memref<128x128xf32, #tpu.memory_space<hbm>>) dst(%arg28 : memref<128x128xf32, #tpu.memory_space<vmem>>)
      } else {
      }
      %mul3A_185 = arith.constant 5 : i32
      %mul3A_186 = arith.muli %mul3A_185, %scan3A_122 : i32
      %add3A_187 = arith.constant 4 : i32
      %add3A_188 = arith.addi %mul3A_186, %add3A_187 : i32
      %dma_start3A_189 = arith.constant 0 : i32
      %dma_start3A_190 = tpu.memref_slice %arg21[%add3A_188, %dma_start3A_189] : memref<50x128xi32, #tpu.memory_space<vmem>> -> memref<1x128xi32, #tpu.memory_space<vmem>>
      %dma_start3A_191 = tpu.memref_squeeze %dma_start3A_190 : memref<1x128xi32, #tpu.memory_space<vmem>> -> memref<128xi32, #tpu.memory_space<vmem>>
      %dma_start3A_192 = arith.constant 0 : i32
      %dma_start3A_193 = arith.constant 0 : i32
      %dma_start3A_194 = tpu.memref_slice %arg10[%dma_start3A_192, %dma_start3A_193] : memref<100000x128xf32, #tpu.memory_space<hbm>> -> memref<100000x128xf32, #tpu.memory_space<hbm>>
      tpu.enqueue_indirect_dma source(%dma_start3A_194 : memref<100000x128xf32, #tpu.memory_space<hbm>>) target(%arg28 : memref<128x128xf32, #tpu.memory_space<vmem>>) offsets(%dma_start3A_191 : memref<128xi32, #tpu.memory_space<vmem>>) semaphore(%arg33 : memref<!tpu.dma_semaphore, #tpu.memory_space<semaphore_mem>>)
      %dma_wait3A_195 = arith.constant 0 : i32
      %dma_wait3A_196 = tpu.memref_slice %arg21[%add3A_128, %dma_wait3A_195] : memref<50x128xi32, #tpu.memory_space<vmem>> -> memref<1x128xi32, #tpu.memory_space<vmem>>
      %dma_wait3A_197 = tpu.memref_squeeze %dma_wait3A_196 : memref<1x128xi32, #tpu.memory_space<vmem>> -> memref<128xi32, #tpu.memory_space<vmem>>
      %dma_wait3A_198 = arith.constant 0 : i32
      %dma_wait3A_199 = arith.constant 0 : i32
      %dma_wait3A_200 = tpu.memref_slice %arg10[%dma_wait3A_198, %dma_wait3A_199] : memref<100000x128xf32, #tpu.memory_space<hbm>> -> memref<100000x128xf32, #tpu.memory_space<hbm>>
      tpu.wait_indirect_dma semaphore(%arg29 : memref<!tpu.dma_semaphore, #tpu.memory_space<semaphore_mem>>) src(%dma_wait3A_200 : memref<100000x128xf32, #tpu.memory_space<hbm>>) dst(%arg24 : memref<128x128xf32, #tpu.memory_space<vmem>>)
      %mul3A_201 = arith.constant 5 : i32
      %mul3A_202 = arith.muli %mul3A_201, %scan3A_122 : i32
      %add3A_203 = arith.constant 0 : i32
      %add3A_204 = arith.addi %mul3A_202, %add3A_203 : i32
      %mul3A_205 = arith.constant 6400 : i32
      %mul3A_206 = arith.muli %add3A, %mul3A_205 : i32
      %mul3A_207 = arith.constant 128 : i32
      %mul3A_208 = arith.muli %add3A_204, %mul3A_207 : i32
      %add3A_209 = arith.addi %mul3A_206, %mul3A_208 : i32
      %dma_start3A_210 = arith.constant 0 : i32
      %dma_start3A_211 = tpu.memref_slice %arg18[%add3A_209, %dma_start3A_210] : memref<204800x128xf32, #tpu.memory_space<hbm>> -> memref<128x128xf32, #tpu.memory_space<hbm>>
      %dma_start3A_212 = arith.constant 0 : i32
      %dma_start3A_213 = tpu.memref_slice %arg18[%add3A_209, %dma_start3A_212] : memref<204800x128xf32, #tpu.memory_space<hbm>> -> memref<128x128xf32, #tpu.memory_space<hbm>>
      tpu.enqueue_dma source(%arg24 : memref<128x128xf32, #tpu.memory_space<vmem>>) target(%dma_start3A_213 : memref<128x128xf32, #tpu.memory_space<hbm>>) target_semaphore(%arg34 : memref<!tpu.dma_semaphore, #tpu.memory_space<semaphore_mem>>)
      %dma_wait3A_214 = arith.constant 0 : i32
      %dma_wait3A_215 = tpu.memref_slice %arg21[%add3A_143, %dma_wait3A_214] : memref<50x128xi32, #tpu.memory_space<vmem>> -> memref<1x128xi32, #tpu.memory_space<vmem>>
      %dma_wait3A_216 = tpu.memref_squeeze %dma_wait3A_215 : memref<1x128xi32, #tpu.memory_space<vmem>> -> memref<128xi32, #tpu.memory_space<vmem>>
      %dma_wait3A_217 = arith.constant 0 : i32
      %dma_wait3A_218 = arith.constant 0 : i32
      %dma_wait3A_219 = tpu.memref_slice %arg10[%dma_wait3A_217, %dma_wait3A_218] : memref<100000x128xf32, #tpu.memory_space<hbm>> -> memref<100000x128xf32, #tpu.memory_space<hbm>>
      tpu.wait_indirect_dma semaphore(%arg30 : memref<!tpu.dma_semaphore, #tpu.memory_space<semaphore_mem>>) src(%dma_wait3A_219 : memref<100000x128xf32, #tpu.memory_space<hbm>>) dst(%arg25 : memref<128x128xf32, #tpu.memory_space<vmem>>)
      %mul3A_220 = arith.constant 5 : i32
      %mul3A_221 = arith.muli %mul3A_220, %scan3A_122 : i32
      %add3A_222 = arith.constant 1 : i32
      %add3A_223 = arith.addi %mul3A_221, %add3A_222 : i32
      %mul3A_224 = arith.constant 6400 : i32
      %mul3A_225 = arith.muli %add3A, %mul3A_224 : i32
      %mul3A_226 = arith.constant 128 : i32
      %mul3A_227 = arith.muli %add3A_223, %mul3A_226 : i32
      %add3A_228 = arith.addi %mul3A_225, %mul3A_227 : i32
      %dma_start3A_229 = arith.constant 0 : i32
      %dma_start3A_230 = tpu.memref_slice %arg18[%add3A_228, %dma_start3A_229] : memref<204800x128xf32, #tpu.memory_space<hbm>> -> memref<128x128xf32, #tpu.memory_space<hbm>>
      %dma_start3A_231 = arith.constant 0 : i32
      %dma_start3A_232 = tpu.memref_slice %arg18[%add3A_228, %dma_start3A_231] : memref<204800x128xf32, #tpu.memory_space<hbm>> -> memref<128x128xf32, #tpu.memory_space<hbm>>
      tpu.enqueue_dma source(%arg25 : memref<128x128xf32, #tpu.memory_space<vmem>>) target(%dma_start3A_232 : memref<128x128xf32, #tpu.memory_space<hbm>>) target_semaphore(%arg35 : memref<!tpu.dma_semaphore, #tpu.memory_space<semaphore_mem>>)
      %dma_wait3A_233 = arith.constant 0 : i32
      %dma_wait3A_234 = tpu.memref_slice %arg21[%add3A_158, %dma_wait3A_233] : memref<50x128xi32, #tpu.memory_space<vmem>> -> memref<1x128xi32, #tpu.memory_space<vmem>>
      %dma_wait3A_235 = tpu.memref_squeeze %dma_wait3A_234 : memref<1x128xi32, #tpu.memory_space<vmem>> -> memref<128xi32, #tpu.memory_space<vmem>>
      %dma_wait3A_236 = arith.constant 0 : i32
      %dma_wait3A_237 = arith.constant 0 : i32
      %dma_wait3A_238 = tpu.memref_slice %arg10[%dma_wait3A_236, %dma_wait3A_237] : memref<100000x128xf32, #tpu.memory_space<hbm>> -> memref<100000x128xf32, #tpu.memory_space<hbm>>
      tpu.wait_indirect_dma semaphore(%arg31 : memref<!tpu.dma_semaphore, #tpu.memory_space<semaphore_mem>>) src(%dma_wait3A_238 : memref<100000x128xf32, #tpu.memory_space<hbm>>) dst(%arg26 : memref<128x128xf32, #tpu.memory_space<vmem>>)
      %mul3A_239 = arith.constant 5 : i32
      %mul3A_240 = arith.muli %mul3A_239, %scan3A_122 : i32
      %add3A_241 = arith.constant 2 : i32
      %add3A_242 = arith.addi %mul3A_240, %add3A_241 : i32
      %mul3A_243 = arith.constant 6400 : i32
      %mul3A_244 = arith.muli %add3A, %mul3A_243 : i32
      %mul3A_245 = arith.constant 128 : i32
      %mul3A_246 = arith.muli %add3A_242, %mul3A_245 : i32
      %add3A_247 = arith.addi %mul3A_244, %mul3A_246 : i32
      %dma_start3A_248 = arith.constant 0 : i32
      %dma_start3A_249 = tpu.memref_slice %arg18[%add3A_247, %dma_start3A_248] : memref<204800x128xf32, #tpu.memory_space<hbm>> -> memref<128x128xf32, #tpu.memory_space<hbm>>
      %dma_start3A_250 = arith.constant 0 : i32
      %dma_start3A_251 = tpu.memref_slice %arg18[%add3A_247, %dma_start3A_250] : memref<204800x128xf32, #tpu.memory_space<hbm>> -> memref<128x128xf32, #tpu.memory_space<hbm>>
      tpu.enqueue_dma source(%arg26 : memref<128x128xf32, #tpu.memory_space<vmem>>) target(%dma_start3A_251 : memref<128x128xf32, #tpu.memory_space<hbm>>) target_semaphore(%arg36 : memref<!tpu.dma_semaphore, #tpu.memory_space<semaphore_mem>>)
      %dma_wait3A_252 = arith.constant 0 : i32
      %dma_wait3A_253 = tpu.memref_slice %arg21[%add3A_173, %dma_wait3A_252] : memref<50x128xi32, #tpu.memory_space<vmem>> -> memref<1x128xi32, #tpu.memory_space<vmem>>
      %dma_wait3A_254 = tpu.memref_squeeze %dma_wait3A_253 : memref<1x128xi32, #tpu.memory_space<vmem>> -> memref<128xi32, #tpu.memory_space<vmem>>
      %dma_wait3A_255 = arith.constant 0 : i32
      %dma_wait3A_256 = arith.constant 0 : i32
      %dma_wait3A_257 = tpu.memref_slice %arg10[%dma_wait3A_255, %dma_wait3A_256] : memref<100000x128xf32, #tpu.memory_space<hbm>> -> memref<100000x128xf32, #tpu.memory_space<hbm>>
      tpu.wait_indirect_dma semaphore(%arg32 : memref<!tpu.dma_semaphore, #tpu.memory_space<semaphore_mem>>) src(%dma_wait3A_257 : memref<100000x128xf32, #tpu.memory_space<hbm>>) dst(%arg27 : memref<128x128xf32, #tpu.memory_space<vmem>>)
      %mul3A_258 = arith.constant 5 : i32
      %mul3A_259 = arith.muli %mul3A_258, %scan3A_122 : i32
      %add3A_260 = arith.constant 3 : i32
      %add3A_261 = arith.addi %mul3A_259, %add3A_260 : i32
      %mul3A_262 = arith.constant 6400 : i32
      %mul3A_263 = arith.muli %add3A, %mul3A_262 : i32
      %mul3A_264 = arith.constant 128 : i32
      %mul3A_265 = arith.muli %add3A_261, %mul3A_264 : i32
      %add3A_266 = arith.addi %mul3A_263, %mul3A_265 : i32
      %dma_start3A_267 = arith.constant 0 : i32
      %dma_start3A_268 = tpu.memref_slice %arg18[%add3A_266, %dma_start3A_267] : memref<204800x128xf32, #tpu.memory_space<hbm>> -> memref<128x128xf32, #tpu.memory_space<hbm>>
      %dma_start3A_269 = arith.constant 0 : i32
      %dma_start3A_270 = tpu.memref_slice %arg18[%add3A_266, %dma_start3A_269] : memref<204800x128xf32, #tpu.memory_space<hbm>> -> memref<128x128xf32, #tpu.memory_space<hbm>>
      tpu.enqueue_dma source(%arg27 : memref<128x128xf32, #tpu.memory_space<vmem>>) target(%dma_start3A_270 : memref<128x128xf32, #tpu.memory_space<hbm>>) target_semaphore(%arg37 : memref<!tpu.dma_semaphore, #tpu.memory_space<semaphore_mem>>)
      %dma_wait3A_271 = arith.constant 0 : i32
      %dma_wait3A_272 = tpu.memref_slice %arg21[%add3A_188, %dma_wait3A_271] : memref<50x128xi32, #tpu.memory_space<vmem>> -> memref<1x128xi32, #tpu.memory_space<vmem>>
      %dma_wait3A_273 = tpu.memref_squeeze %dma_wait3A_272 : memref<1x128xi32, #tpu.memory_space<vmem>> -> memref<128xi32, #tpu.memory_space<vmem>>
      %dma_wait3A_274 = arith.constant 0 : i32
      %dma_wait3A_275 = arith.constant 0 : i32
      %dma_wait3A_276 = tpu.memref_slice %arg10[%dma_wait3A_274, %dma_wait3A_275] : memref<100000x128xf32, #tpu.memory_space<hbm>> -> memref<100000x128xf32, #tpu.memory_space<hbm>>
      tpu.wait_indirect_dma semaphore(%arg33 : memref<!tpu.dma_semaphore, #tpu.memory_space<semaphore_mem>>) src(%dma_wait3A_276 : memref<100000x128xf32, #tpu.memory_space<hbm>>) dst(%arg28 : memref<128x128xf32, #tpu.memory_space<vmem>>)
      %mul3A_277 = arith.constant 5 : i32
      %mul3A_278 = arith.muli %mul3A_277, %scan3A_122 : i32
      %add3A_279 = arith.constant 4 : i32
      %add3A_280 = arith.addi %mul3A_278, %add3A_279 : i32
      %mul3A_281 = arith.constant 6400 : i32
      %mul3A_282 = arith.muli %add3A, %mul3A_281 : i32
      %mul3A_283 = arith.constant 128 : i32
      %mul3A_284 = arith.muli %add3A_280, %mul3A_283 : i32
      %add3A_285 = arith.addi %mul3A_282, %mul3A_284 : i32
      %dma_start3A_286 = arith.constant 0 : i32
      %dma_start3A_287 = tpu.memref_slice %arg18[%add3A_285, %dma_start3A_286] : memref<204800x128xf32, #tpu.memory_space<hbm>> -> memref<128x128xf32, #tpu.memory_space<hbm>>
      %dma_start3A_288 = arith.constant 0 : i32
      %dma_start3A_289 = tpu.memref_slice %arg18[%add3A_285, %dma_start3A_288] : memref<204800x128xf32, #tpu.memory_space<hbm>> -> memref<128x128xf32, #tpu.memory_space<hbm>>
      tpu.enqueue_dma source(%arg28 : memref<128x128xf32, #tpu.memory_space<vmem>>) target(%dma_start3A_289 : memref<128x128xf32, #tpu.memory_space<hbm>>) target_semaphore(%arg38 : memref<!tpu.dma_semaphore, #tpu.memory_space<semaphore_mem>>)
    }
    %scan3A_91 = arith.constant 10 : i32
    %mul3A_92 = arith.constant 6400 : i32
    %mul3A_93 = arith.muli %add3A, %mul3A_92 : i32
    %dma_wait3A_94 = arith.constant 0 : i32
    %dma_wait3A_95 = tpu.memref_slice %arg18[%mul3A_93, %dma_wait3A_94] : memref<204800x128xf32, #tpu.memory_space<hbm>> -> memref<128x128xf32, #tpu.memory_space<hbm>>
    %dma_wait3A_96 = arith.constant 0 : i32
    %dma_wait3A_97 = tpu.memref_slice %arg18[%mul3A_93, %dma_wait3A_96] : memref<204800x128xf32, #tpu.memory_space<hbm>> -> memref<128x128xf32, #tpu.memory_space<hbm>>
    tpu.wait_dma2 semaphore(%arg34 : memref<!tpu.dma_semaphore, #tpu.memory_space<semaphore_mem>>) src(%dma_wait3A_97 : memref<128x128xf32, #tpu.memory_space<hbm>>) dst(%arg24 : memref<128x128xf32, #tpu.memory_space<vmem>>)
    %mul3A_98 = arith.constant 6400 : i32
    %mul3A_99 = arith.muli %add3A, %mul3A_98 : i32
    %dma_wait3A_100 = arith.constant 0 : i32
    %dma_wait3A_101 = tpu.memref_slice %arg18[%mul3A_99, %dma_wait3A_100] : memref<204800x128xf32, #tpu.memory_space<hbm>> -> memref<128x128xf32, #tpu.memory_space<hbm>>
    %dma_wait3A_102 = arith.constant 0 : i32
    %dma_wait3A_103 = tpu.memref_slice %arg18[%mul3A_99, %dma_wait3A_102] : memref<204800x128xf32, #tpu.memory_space<hbm>> -> memref<128x128xf32, #tpu.memory_space<hbm>>
    tpu.wait_dma2 semaphore(%arg35 : memref<!tpu.dma_semaphore, #tpu.memory_space<semaphore_mem>>) src(%dma_wait3A_103 : memref<128x128xf32, #tpu.memory_space<hbm>>) dst(%arg25 : memref<128x128xf32, #tpu.memory_space<vmem>>)
    %mul3A_104 = arith.constant 6400 : i32
    %mul3A_105 = arith.muli %add3A, %mul3A_104 : i32
    %dma_wait3A_106 = arith.constant 0 : i32
    %dma_wait3A_107 = tpu.memref_slice %arg18[%mul3A_105, %dma_wait3A_106] : memref<204800x128xf32, #tpu.memory_space<hbm>> -> memref<128x128xf32, #tpu.memory_space<hbm>>
    %dma_wait3A_108 = arith.constant 0 : i32
    %dma_wait3A_109 = tpu.memref_slice %arg18[%mul3A_105, %dma_wait3A_108] : memref<204800x128xf32, #tpu.memory_space<hbm>> -> memref<128x128xf32, #tpu.memory_space<hbm>>
    tpu.wait_dma2 semaphore(%arg36 : memref<!tpu.dma_semaphore, #tpu.memory_space<semaphore_mem>>) src(%dma_wait3A_109 : memref<128x128xf32, #tpu.memory_space<hbm>>) dst(%arg26 : memref<128x128xf32, #tpu.memory_space<vmem>>)
    %mul3A_110 = arith.constant 6400 : i32
    %mul3A_111 = arith.muli %add3A, %mul3A_110 : i32
    %dma_wait3A_112 = arith.constant 0 : i32
    %dma_wait3A_113 = tpu.memref_slice %arg18[%mul3A_111, %dma_wait3A_112] : memref<204800x128xf32, #tpu.memory_space<hbm>> -> memref<128x128xf32, #tpu.memory_space<hbm>>
    %dma_wait3A_114 = arith.constant 0 : i32
    %dma_wait3A_115 = tpu.memref_slice %arg18[%mul3A_111, %dma_wait3A_114] : memref<204800x128xf32, #tpu.memory_space<hbm>> -> memref<128x128xf32, #tpu.memory_space<hbm>>
    tpu.wait_dma2 semaphore(%arg37 : memref<!tpu.dma_semaphore, #tpu.memory_space<semaphore_mem>>) src(%dma_wait3A_115 : memref<128x128xf32, #tpu.memory_space<hbm>>) dst(%arg27 : memref<128x128xf32, #tpu.memory_space<vmem>>)
    %mul3A_116 = arith.constant 6400 : i32
    %mul3A_117 = arith.muli %add3A, %mul3A_116 : i32
    %dma_wait3A_118 = arith.constant 0 : i32
    %dma_wait3A_119 = tpu.memref_slice %arg18[%mul3A_117, %dma_wait3A_118] : memref<204800x128xf32, #tpu.memory_space<hbm>> -> memref<128x128xf32, #tpu.memory_space<hbm>>
    %dma_wait3A_120 = arith.constant 0 : i32
    %dma_wait3A_121 = tpu.memref_slice %arg18[%mul3A_117, %dma_wait3A_120] : memref<204800x128xf32, #tpu.memory_space<hbm>> -> memref<128x128xf32, #tpu.memory_space<hbm>>
    tpu.wait_dma2 semaphore(%arg38 : memref<!tpu.dma_semaphore, #tpu.memory_space<semaphore_mem>>) src(%dma_wait3A_121 : memref<128x128xf32, #tpu.memory_space<hbm>>) dst(%arg28 : memref<128x128xf32, #tpu.memory_space<vmem>>)
    return
  }
}

module attributes {stable_mosaic.version = 14 : i64} {
  func.func @body(%arg0: i32, %arg1: memref<4096x128xf32, #tpu.memory_space<vmem>>, %arg2: memref<4096x128xf32, #tpu.memory_space<vmem>>, %arg3: memref<4096x128xf32, #tpu.memory_space<vmem>>, %arg4: memref<4096x128xf32, #tpu.memory_space<vmem>>, %arg5: memref<4096x128xf32, #tpu.memory_space<vmem>>, %arg6: memref<4096x128xf32, #tpu.memory_space<vmem>>, %arg7: memref<256x128xf32, #tpu.memory_space<vmem>>, %arg8: memref<1x128xf32, #tpu.memory_space<vmem>>, %arg9: memref<128x128xf32, #tpu.memory_space<vmem>>, %arg10: memref<1x128xf32, #tpu.memory_space<vmem>>, %arg11: memref<4096x128xf32, #tpu.memory_space<vmem>>, %arg12: memref<4096x128xf32, #tpu.memory_space<vmem>>, %arg13: memref<4096x128xf32, #tpu.memory_space<vmem>>, %arg14: memref<4096x128xf32, #tpu.memory_space<vmem>>, %arg15: memref<4096x128xf32, #tpu.memory_space<vmem>>) attributes {dimension_semantics = [#tpu.dimension_semantics<arbitrary>], iteration_bounds = array<i64: 50>, scalar_prefetch = 0 : i64, scratch_operands = 1 : i64, tpu.core_type = #tpu.core_type<tc>, window_params = [{pipeline_mode = #tpu.pipeline_mode<synchronous>, transform_indices = @transform_0, window_bounds = array<i64: 4096, 128>}, {pipeline_mode = #tpu.pipeline_mode<synchronous>, transform_indices = @transform_1, window_bounds = array<i64: 4096, 128>}, {pipeline_mode = #tpu.pipeline_mode<synchronous>, transform_indices = @transform_2, window_bounds = array<i64: 4096, 128>}, {pipeline_mode = #tpu.pipeline_mode<synchronous>, transform_indices = @transform_3, window_bounds = array<i64: 4096, 128>}, {transform_indices = @transform_4, window_bounds = array<i64: 4096, 128>}, {transform_indices = @transform_5, window_bounds = array<i64: 4096, 128>}, {pipeline_mode = #tpu.pipeline_mode<synchronous>, transform_indices = @transform_6, window_bounds = array<i64: 256, 128>}, {pipeline_mode = #tpu.pipeline_mode<synchronous>, transform_indices = @transform_7, window_bounds = array<i64: 1, 128>}, {pipeline_mode = #tpu.pipeline_mode<synchronous>, transform_indices = @transform_8, window_bounds = array<i64: 128, 128>}, {pipeline_mode = #tpu.pipeline_mode<synchronous>, transform_indices = @transform_9, window_bounds = array<i64: 1, 128>}, {pipeline_mode = #tpu.pipeline_mode<synchronous>, transform_indices = @transform_10, window_bounds = array<i64: 4096, 128>}, {pipeline_mode = #tpu.pipeline_mode<synchronous>, transform_indices = @transform_11, window_bounds = array<i64: 4096, 128>}, {transform_indices = @transform_12, window_bounds = array<i64: 4096, 128>}, {transform_indices = @transform_13, window_bounds = array<i64: 4096, 128>}]} {
    %get3A = arith.constant 128 : index
    %get3A_0 = arith.constant 0 : index
    %get3A_1 = vector.load %arg7[%get3A, %get3A_0] : memref<256x128xf32, #tpu.memory_space<vmem>>, vector<128x128xf32>
    %get3A_2 = arith.constant 0 : index
    %get3A_3 = arith.constant 0 : index
    %get3A_4 = vector.load %arg9[%get3A_2, %get3A_3] : memref<128x128xf32, #tpu.memory_space<vmem>>, vector<128x128xf32>
    %get3A_5 = arith.constant 0 : index
    %get3A_6 = arith.constant 0 : index
    %get3A_7 = vector.load %arg10[%get3A_5, %get3A_6] : memref<1x128xf32, #tpu.memory_space<vmem>>, vector<1x128xf32>
    %eq3A = arith.constant 0 : i32
    %eq3A_8 = arith.cmpi eq, %arg0, %eq3A : i32
    %convert_element_type3A = arith.extui %eq3A_8 : i1 to i32
    %cond3A = arith.constant 0 : i32
    %cond3A_9 = arith.cmpi ne, %convert_element_type3A, %cond3A : i32
    scf.if %cond3A_9 {
      %get3A_34 = arith.constant 0 : index
      %get3A_35 = arith.constant 0 : index
      %get3A_36 = vector.load %arg7[%get3A_34, %get3A_35] : memref<256x128xf32, #tpu.memory_space<vmem>>, vector<128x128xf32>
      %get3A_37 = arith.constant 0 : index
      %get3A_38 = arith.constant 0 : index
      %get3A_39 = vector.load %arg1[%get3A_37, %get3A_38] : memref<4096x128xf32, #tpu.memory_space<vmem>>, vector<4096x128xf32>
      %dot_general3A_40 = arith.constant dense<0.000000e+00> : vector<4096x128xf32>
      %dot_general3A_41 = tpu.matmul %get3A_39, %get3A_36, %dot_general3A_40 {dimension_numbers = #tpu.dot_dimension_numbers<[1], [0], [0], [1], [0, 0, 1, 1], [], []>, transpose_lhs_hint = false} : vector<4096x128xf32>, vector<128x128xf32>, vector<4096x128xf32> -> vector<4096x128xf32>
      %get3A_42 = arith.constant 0 : index
      %get3A_43 = arith.constant 0 : index
      %get3A_44 = vector.load %arg8[%get3A_42, %get3A_43] : memref<1x128xf32, #tpu.memory_space<vmem>>, vector<1x128xf32>
      %add3A_45 = vector.broadcast %get3A_44 : vector<1x128xf32> to vector<4096x128xf32>
      %add3A_46 = arith.addf %dot_general3A_41, %add3A_45 : vector<4096x128xf32>
      %swap3A_47 = arith.constant 0 : index
      %swap3A_48 = arith.constant 0 : index
      %swap3A_49 = vector.load %arg15[%swap3A_47, %swap3A_48] : memref<4096x128xf32, #tpu.memory_space<vmem>>, vector<4096x128xf32>
      tpu.vector_store %arg15[%swap3A_47, %swap3A_48], %add3A_46 {strides = array<i32>} : memref<4096x128xf32, #tpu.memory_space<vmem>>, vector<4096x128xf32>,
      %get3A_50 = arith.constant 0 : index
      %get3A_51 = arith.constant 0 : index
      %get3A_52 = vector.load %arg3[%get3A_50, %get3A_51] : memref<4096x128xf32, #tpu.memory_space<vmem>>, vector<4096x128xf32>
      %dot_general3A_53 = arith.constant dense<0.000000e+00> : vector<4096x128xf32>
      %dot_general3A_54 = tpu.matmul %get3A_52, %get3A_1, %dot_general3A_53 {dimension_numbers = #tpu.dot_dimension_numbers<[1], [0], [0], [1], [0, 0, 1, 1], [], []>, transpose_lhs_hint = false} : vector<4096x128xf32>, vector<128x128xf32>, vector<4096x128xf32> -> vector<4096x128xf32>
      %add3A_55 = arith.addf %add3A_46, %dot_general3A_54 : vector<4096x128xf32>
      %max3A_56 = arith.constant 0.000000e+00 : f32
      %max3A_57 = vector.broadcast %max3A_56 : f32 to vector<4096x128xf32>
      %max3A_58 = arith.maximumf %add3A_55, %max3A_57 : vector<4096x128xf32>
      %dot_general3A_59 = arith.constant dense<0.000000e+00> : vector<4096x128xf32>
      %dot_general3A_60 = tpu.matmul %max3A_58, %get3A_4, %dot_general3A_59 {dimension_numbers = #tpu.dot_dimension_numbers<[1], [0], [0], [1], [0, 0, 1, 1], [], []>, transpose_lhs_hint = false} : vector<4096x128xf32>, vector<128x128xf32>, vector<4096x128xf32> -> vector<4096x128xf32>
      %add3A_61 = vector.broadcast %get3A_7 : vector<1x128xf32> to vector<4096x128xf32>
      %add3A_62 = arith.addf %dot_general3A_60, %add3A_61 : vector<4096x128xf32>
      %swap3A_63 = arith.constant 0 : index
      %swap3A_64 = arith.constant 0 : index
      %swap3A_65 = vector.load %arg11[%swap3A_63, %swap3A_64] : memref<4096x128xf32, #tpu.memory_space<vmem>>, vector<4096x128xf32>
      tpu.vector_store %arg11[%swap3A_63, %swap3A_64], %add3A_62 {strides = array<i32>} : memref<4096x128xf32, #tpu.memory_space<vmem>>, vector<4096x128xf32>,
      %get3A_66 = arith.constant 0 : index
      %get3A_67 = arith.constant 0 : index
      %get3A_68 = vector.load %arg2[%get3A_66, %get3A_67] : memref<4096x128xf32, #tpu.memory_space<vmem>>, vector<4096x128xf32>
      %get3A_69 = arith.constant 0 : index
      %get3A_70 = arith.constant 0 : index
      %get3A_71 = vector.load %arg4[%get3A_69, %get3A_70] : memref<4096x128xf32, #tpu.memory_space<vmem>>, vector<4096x128xf32>
      %mul3A_72 = arith.mulf %get3A_68, %get3A_71 : vector<4096x128xf32>
      %swap3A_73 = arith.constant 0 : index
      %swap3A_74 = arith.constant 0 : index
      %swap3A_75 = vector.load %arg12[%swap3A_73, %swap3A_74] : memref<4096x128xf32, #tpu.memory_space<vmem>>, vector<4096x128xf32>
      tpu.vector_store %arg12[%swap3A_73, %swap3A_74], %mul3A_72 {strides = array<i32>} : memref<4096x128xf32, #tpu.memory_space<vmem>>, vector<4096x128xf32>,
    } else {
    }
    %get3A_10 = arith.constant 0 : index
    %get3A_11 = arith.constant 0 : index
    %get3A_12 = vector.load %arg5[%get3A_10, %get3A_11] : memref<4096x128xf32, #tpu.memory_space<vmem>>, vector<4096x128xf32>
    %dot_general3A = arith.constant dense<0.000000e+00> : vector<4096x128xf32>
    %dot_general3A_13 = tpu.matmul %get3A_12, %get3A_1, %dot_general3A {dimension_numbers = #tpu.dot_dimension_numbers<[1], [0], [0], [1], [0, 0, 1, 1], [], []>, transpose_lhs_hint = false} : vector<4096x128xf32>, vector<128x128xf32>, vector<4096x128xf32> -> vector<4096x128xf32>
    %get3A_14 = arith.constant 0 : index
    %get3A_15 = arith.constant 0 : index
    %get3A_16 = vector.load %arg15[%get3A_14, %get3A_15] : memref<4096x128xf32, #tpu.memory_space<vmem>>, vector<4096x128xf32>
    %add3A = arith.addf %get3A_16, %dot_general3A_13 : vector<4096x128xf32>
    %max3A = arith.constant 0.000000e+00 : f32
    %max3A_17 = vector.broadcast %max3A : f32 to vector<4096x128xf32>
    %max3A_18 = arith.maximumf %add3A, %max3A_17 : vector<4096x128xf32>
    %dot_general3A_19 = arith.constant dense<0.000000e+00> : vector<4096x128xf32>
    %dot_general3A_20 = tpu.matmul %max3A_18, %get3A_4, %dot_general3A_19 {dimension_numbers = #tpu.dot_dimension_numbers<[1], [0], [0], [1], [0, 0, 1, 1], [], []>, transpose_lhs_hint = false} : vector<4096x128xf32>, vector<128x128xf32>, vector<4096x128xf32> -> vector<4096x128xf32>
    %add3A_21 = vector.broadcast %get3A_7 : vector<1x128xf32> to vector<4096x128xf32>
    %add3A_22 = arith.addf %dot_general3A_20, %add3A_21 : vector<4096x128xf32>
    %swap3A = arith.constant 0 : index
    %swap3A_23 = arith.constant 0 : index
    %swap3A_24 = vector.load %arg13[%swap3A, %swap3A_23] : memref<4096x128xf32, #tpu.memory_space<vmem>>, vector<4096x128xf32>
    tpu.vector_store %arg13[%swap3A, %swap3A_23], %add3A_22 {strides = array<i32>} : memref<4096x128xf32, #tpu.memory_space<vmem>>, vector<4096x128xf32>,
    %get3A_25 = arith.constant 0 : index
    %get3A_26 = arith.constant 0 : index
    %get3A_27 = vector.load %arg2[%get3A_25, %get3A_26] : memref<4096x128xf32, #tpu.memory_space<vmem>>, vector<4096x128xf32>
    %get3A_28 = arith.constant 0 : index
    %get3A_29 = arith.constant 0 : index
    %get3A_30 = vector.load %arg6[%get3A_28, %get3A_29] : memref<4096x128xf32, #tpu.memory_space<vmem>>, vector<4096x128xf32>
    %mul3A = arith.mulf %get3A_27, %get3A_30 : vector<4096x128xf32>
    %swap3A_31 = arith.constant 0 : index
    %swap3A_32 = arith.constant 0 : index
    %swap3A_33 = vector.load %arg14[%swap3A_31, %swap3A_32] : memref<4096x128xf32, #tpu.memory_space<vmem>>, vector<4096x128xf32>
    tpu.vector_store %arg14[%swap3A_31, %swap3A_32], %mul3A {strides = array<i32>} : memref<4096x128xf32, #tpu.memory_space<vmem>>, vector<4096x128xf32>,
    return
  }
  func.func @transform_0(%arg0: i32) -> (i32, i32) {
    %c0_i32 = arith.constant 0 : i32
    %c0_i32_0 = arith.constant 0 : i32
    %c0_i32_1 = arith.constant 0 : i32
    return %c0_i32, %c0_i32_0 : i32, i32
  }
  func.func @transform_1(%arg0: i32) -> (i32, i32) {
    %c0_i32 = arith.constant 0 : i32
    %c0_i32_0 = arith.constant 0 : i32
    %c0_i32_1 = arith.constant 0 : i32
    return %c0_i32, %c0_i32_0 : i32, i32
  }
  func.func @transform_2(%arg0: i32) -> (i32, i32) {
    %c0_i32 = arith.constant 0 : i32
    %c0_i32_0 = arith.constant 0 : i32
    %c0_i32_1 = arith.constant 0 : i32
    return %c0_i32, %c0_i32_0 : i32, i32
  }
  func.func @transform_3(%arg0: i32) -> (i32, i32) {
    %c0_i32 = arith.constant 0 : i32
    %c0_i32_0 = arith.constant 0 : i32
    %c0_i32_1 = arith.constant 0 : i32
    return %c0_i32, %c0_i32_0 : i32, i32
  }
  func.func @transform_4(%arg0: i32) -> (i32, i32) {
    %c0_i32 = arith.constant 0 : i32
    %c0_i32_0 = arith.constant 0 : i32
    return %arg0, %c0_i32 : i32, i32
  }
  func.func @transform_5(%arg0: i32) -> (i32, i32) {
    %c0_i32 = arith.constant 0 : i32
    %c0_i32_0 = arith.constant 0 : i32
    return %arg0, %c0_i32 : i32, i32
  }
  func.func @transform_6(%arg0: i32) -> (i32, i32) {
    %c0_i32 = arith.constant 0 : i32
    %c0_i32_0 = arith.constant 0 : i32
    %c0_i32_1 = arith.constant 0 : i32
    return %c0_i32, %c0_i32_0 : i32, i32
  }
  func.func @transform_7(%arg0: i32) -> (i32, i32) {
    %c0_i32 = arith.constant 0 : i32
    %c0_i32_0 = arith.constant 0 : i32
    %c0_i32_1 = arith.constant 0 : i32
    return %c0_i32, %c0_i32_0 : i32, i32
  }
  func.func @transform_8(%arg0: i32) -> (i32, i32) {
    %c0_i32 = arith.constant 0 : i32
    %c0_i32_0 = arith.constant 0 : i32
    %c0_i32_1 = arith.constant 0 : i32
    return %c0_i32, %c0_i32_0 : i32, i32
  }
  func.func @transform_9(%arg0: i32) -> (i32, i32) {
    %c0_i32 = arith.constant 0 : i32
    %c0_i32_0 = arith.constant 0 : i32
    %c0_i32_1 = arith.constant 0 : i32
    return %c0_i32, %c0_i32_0 : i32, i32
  }
  func.func @transform_10(%arg0: i32) -> (i32, i32) {
    %c0_i32 = arith.constant 0 : i32
    %c0_i32_0 = arith.constant 0 : i32
    %c0_i32_1 = arith.constant 0 : i32
    return %c0_i32, %c0_i32_0 : i32, i32
  }
  func.func @transform_11(%arg0: i32) -> (i32, i32) {
    %c0_i32 = arith.constant 0 : i32
    %c0_i32_0 = arith.constant 0 : i32
    %c0_i32_1 = arith.constant 0 : i32
    return %c0_i32, %c0_i32_0 : i32, i32
  }
  func.func @transform_12(%arg0: i32) -> (i32, i32) {
    %c0_i32 = arith.constant 0 : i32
    %c0_i32_0 = arith.constant 0 : i32
    return %arg0, %c0_i32 : i32, i32
  }
  func.func @transform_13(%arg0: i32) -> (i32, i32) {
    %c0_i32 = arith.constant 0 : i32
    %c0_i32_0 = arith.constant 0 : i32
    return %arg0, %c0_i32 : i32, i32
  }
}

</mosaic_0001>

<sc_bundles>
// kernel: kernel.4.cloned.1.call-start
scs
__scs_entry_jumppad:
0x0: {  	(pc) =	sbr.rel $0x88, $3  }
0x1: {  	(tag) =	ssettag $0x0;
	lr =	simm.s32 $0x1  }
0x2: {  	[smem:$0x3F94] =	sst lr;
	_ =	strace $0xD0000000  }
0x3: {  	_ = 	snop  }
0x4: {  	_ = 	snop  }
0x5: {  	_ = 	snop  }
0x6: {  	_ = 	snop  }
0x7: {  	_ = 	snop  }
__scs_overlays_trampoline_lowered:
0x8: {  	[smem:$0x3FA3] =	sst s0  }
0x9: {  	[smem:$0x3FA4] =	sst s1  }
0xa: {  	[smem:$0x3FA5] =	sst s2  }
0xb: {  	[smem:$0x3FA6] =	sst s3  }
0xc: {  	[smem:$0x3FA7] =	sst s4  }
0xd: {  	[smem:$0x3FA8] =	sst s5  }
0xe: {  	[smem:$0x3FA9] =	sst s6  }
0xf: {  	[smem:$0x3FAA] =	sst s7  }
0x10: {  	[smem:$0x3FAB] =	sst s8  }
0x11: {  	[smem:$0x3FAC] =	sst s9;
	s0 =	simm.s32 @!p0 $0x0  }
0x12: {  	s1 =	sld [smem:$0x3F92];
	s0 =	simm.s32 @p0 $0x1  }
0x13: {  	[smem:$0x3FAD] =	sst s0;
	s0 =	simm.s32 @!p1 $0x0  }
0x14: {  	s2 =	sld [smem:$0x3F91];
	s0 =	simm.s32 @p1 $0x1  }
0x15: {  	[smem:$0x3FAE] =	sst s0;
	s0 =	simm.s32 @!p2 $0x0  }
0x16: {  	s3 =	sld [smem:$0x3FDB];
	s0 =	simm.s32 @p2 $0x1  }
0x17: {  	s4 =	simm.s32 $0x1BF5;
	[smem:$0x3FB0] =	sst s0  }
0x18: {  	s0 =	sld [smem:$0x3F93];
	_ =	swait.ge [sflag:s4], $0x0  }
0x19: {  	s7 =	sld [smem:$0x3F94]  }
0x1a: {  	s8 =	sadd.s32 $0xFFFFE003, lr  }
0x1b: {  	s9 =	sadd.s32 $0xFFFFFEF7, lr;
	s5 =	simm.s32 $0xFFFFFFFF;
	p2 =	slt.u32 s8, $0xFFFFF086  }
0x1c: {  	p1 =	slt.u32 s9, $0xF7A;
	s5 =	simm.s32 @!p2 $0x0  }
0x1d: {  	s5 =	simm.s32 @p1 $0x1;
	p0 =	seq.s32 s7, s2  }
0x1e: {  	s7 =	smul.u32 @!p0 $0xF7A, s2;
	p2 =	seq.s32 @!p0 s5, $0x0  }
0x1f: {  	s9 =	smul.u32 $0xF7A, s1;
	s8 =	simm.s32 @!p0 $0x1BF5;
	p2 =	por !p2, p0  }
0x20: {  	[sflag:s8] =	ssyncset.s32 @!p0 $0xFFFFF086;
	s6 =	sadd.s32 @!p0 s3, s7;
	s7 =	simm.s32 @!p0 $0x108  }
0x21: {  	s3 =	sadd.s32 s3, s9;
	s6 =	sadd.s32 @!p0 $0x88, s6;
	s7 =	simm.s32 @p2 $0x1082  }
0x22: {  	[simem:s7], [sflag:s8] =	dma.local @!p0 [hbm:s6], $0xF7A  }
0x23: {  	s9 =	sor.u32 $0xD0000000, s2;
	s6 =	simm.s32 $0x108;
	_ =	swait.ge @!p0 [sflag:s8], $0x0  }
0x24: {  	s3 =	sadd.s32 $0x88, s3;
	s6 =	simm.s32 @!p1 $0x1082;
	[sflag:s4] =	ssyncset.s32 $0xFFFFF086  }
0x25: {  	[simem:s6], [sflag:s4] =	dma.local [hbm:s3], $0xF7A  }
0x26: {  	[smem:$0x3F94] =	sst s1;
	(tag) =	ssettag s2;
	_ =	strace s9  }
0x27: {  	s1 =	sld [smem:$0x3FA4]  }
0x28: {  	s2 =	sld [smem:$0x3FA5]  }
0x29: {  	s4 =	sld [smem:$0x3FA7]  }
0x2a: {  	p0 =	seq.s32 s5, $0x0;
	s5 =	sld [smem:$0x3FA8]  }
0x2b: {  	s6 =	sld [smem:$0x3FA9]  }
0x2c: {  	s7 =	sld [smem:$0x3FAA]  }
0x2d: {  	s3 =	simm.s32 $0x108;
	s8 =	sld [smem:$0x3FAB]  }
0x2e: {  	s3 =	simm.s32 @!p0 $0x1082;
	s9 =	sld [smem:$0x3FAC]  }
0x2f: {  	lr =	sadd.s32 s0, s3;
	s0 =	sld [smem:$0x3FA3]  }
0x30: {  	s3 =	sld [smem:$0x3FA6]  }
0x31: {  	[smem:$0x3FAF] =	sst s10  }
0x32: {  	s10 =	sld [smem:$0x3FAD];
	_ =	sdelay $0x3  }
0x33: {  	p0 =	seq.s32 s10, $0x1;
	s10 =	sld [smem:$0x3FAF];
	_ =	sdelay $0x3  }
0x34: {  	[smem:$0x3FAF] =	sst s10  }
0x35: {  	s10 =	sld [smem:$0x3FAE];
	_ =	sdelay $0x3  }
0x36: {  	p1 =	seq.s32 s10, $0x1;
	s10 =	sld [smem:$0x3FAF];
	_ =	sdelay $0x3  }
0x37: {  	[smem:$0x3FAF] =	sst s10  }
0x38: {  	s10 =	sld [smem:$0x3FB0]  }
0x39: {  	_ = 	snop;
	(pc) =	sbr.ind lr, $3  }
0x3a: {  	_ = 	snop  }
0x3b: {  	_ = 	snop  }
0x3c: {  	p2 =	seq.s32 s10, $0x1;
	s10 =	sld [smem:$0x3FAF]  }
0x3d: {  	_ =	shalt  }
0x3e: {  	_ =	shalt  }
0x3f: {  	_ =	shalt  }
0x40: {  	_ =	shalt  }
0x41: {  	_ =	shalt  }
0x42: {  	_ =	shalt  }
0x43: {  	_ =	shalt  }
0x44: {  	_ =	shalt  }
0x45: {  	_ =	shalt  }
0x46: {  	_ =	shalt  }
0x47: {  	_ =	shalt  }
0x48: {  	_ =	shalt  }
0x49: {  	_ =	shalt  }
0x4a: {  	_ =	shalt  }
0x4b: {  	_ =	shalt  }
0x4c: {  	_ =	shalt  }
0x4d: {  	_ =	shalt  }
0x4e: {  	_ =	shalt  }
0x4f: {  	_ =	shalt  }
0x50: {  	_ =	shalt  }
0x51: {  	_ =	shalt  }
0x52: {  	_ =	shalt  }
0x53: {  	_ =	shalt  }
0x54: {  	_ =	shalt  }
0x55: {  	_ =	shalt  }
0x56: {  	_ =	shalt  }
0x57: {  	_ =	shalt  }
0x58: {  	_ =	shalt  }
0x59: {  	_ =	shalt  }
0x5a: {  	_ =	shalt  }
0x5b: {  	_ =	shalt  }
0x5c: {  	_ =	shalt  }
0x5d: {  	_ =	shalt  }
0x5e: {  	_ =	shalt  }
0x5f: {  	_ =	shalt  }
0x60: {  	_ =	shalt  }
0x61: {  	_ =	shalt  }
0x62: {  	_ =	shalt  }
0x63: {  	_ =	shalt  }
0x64: {  	_ =	shalt  }
0x65: {  	_ =	shalt  }
0x66: {  	_ =	shalt  }
0x67: {  	_ =	shalt  }
0x68: {  	_ =	shalt  }
0x69: {  	_ =	shalt  }
0x6a: {  	_ =	shalt  }
0x6b: {  	_ =	shalt  }
0x6c: {  	_ =	shalt  }
0x6d: {  	_ =	shalt  }
0x6e: {  	_ =	shalt  }
0x6f: {  	_ =	shalt  }
0x70: {  	_ =	shalt  }
0x71: {  	_ =	shalt  }
0x72: {  	_ =	shalt  }
0x73: {  	_ =	shalt  }
0x74: {  	_ =	shalt  }
0x75: {  	_ =	shalt  }
0x76: {  	_ =	shalt  }
0x77: {  	_ =	shalt  }
0x78: {  	_ =	shalt  }
0x79: {  	_ =	shalt  }
0x7a: {  	_ =	shalt  }
0x7b: {  	_ =	shalt  }
0x7c: {  	_ =	shalt  }
0x7d: {  	_ =	shalt  }
0x7e: {  	_ =	shalt  }
0x7f: {  	_ =	shalt  }
0x80: {  	_ =	shalt  }
0x81: {  	_ =	shalt  }
0x82: {  	_ =	shalt  }
0x83: {  	_ =	shalt  }
0x84: {  	_ =	shalt  }
0x85: {  	_ =	shalt  }
0x86: {  	_ =	shalt  }
0x87: {  	_ =	shalt  }
.Lfunc_end0:
.L_simem_size_0:
called_computation_lowered:
.L_overlay_start_0:
0x88: {  	s2 =	sld [smem:$0x3FD9]  }
0x89: {  	s3 =	sld [smem:$0x3FFE];
	_ =	sdelay $0x1  }
0x8a: {  	s1 =	srdreg.scid  }
0x8b: {  	s0 =	sand.u32 $0x1, s1  }
0x8c: {  	s22 =	sshll.u32 s0, $0xA;
	s2 =	sadd.s32 s3, s2  }
0x8d: {  	s2 =	sadd.s32 s2, s22  }
0x8e: {  	[smem:$0x3FBB] =	sst s2  }
0x8f: {  	_ = 	snop  }
0x90: {  	s6 =	sld [smem:$0x3FC9]  }
0x91: {  	s7 =	sld [smem:$0x3FC8]  }
0x92: {  	s4 =	sld [smem:$0x3FC6]  }
0x93: {  	s5 =	sld [smem:$0x3FC5]  }
0x94: {  	s2 =	sld [smem:$0x3FC4]  }
0x95: {  	s8 =	sld [smem:$0x3FD0]  }
0x96: {  	s3 =	sld [smem:$0x3FC3]  }
0x97: {  	s9 =	sld [smem:$0x3FC2]  }
0x98: {  	s15 =	simm.s32 $0xA;
	s11 =	simm.s32 $0x10;
	s10 =	sld [smem:$0x3FC1]  }
0x99: {  	[smem:s11], [sflag:s15] =	dma.local [hbm:s8], $0x1  }
0x9a: {  	_ =	swait.eq [sflag:s15], $0x1  }
0x9b: {  	s16 =	sld [smem:$0x10]  }
0x9c: {  	s8 =	sld [smem:$0x11]  }
0x9d: {  	s11 =	sld [smem:$0x12]  }
0x9e: {  	s12 =	sld [smem:$0x13]  }
0x9f: {  	s13 =	sld [smem:$0x14];
	[sflag:s15] =	ssyncset.done $0x0  }
0xa0: {  	s14 =	sld [smem:$0x15];
	[sflag:s15] =	ssyncadd.s32 $0xFFFFFFFF  }
0xa1: {  	s17 =	sld [smem:$0x17];
	(tm) =	ssettm $0x1  }
0xa2: {  	s23 =	sld [smem:$0x3FFB];
	_ =	sdelay $0x3  }
0xa3: {  	_ =	strace s23  }
0xa4: {  	s15 =	sld [smem:$0x3FFC];
	_ =	sdelay $0x3  }
0xa5: {  	_ =	strace s15  }
0xa6: {  	s15 =	sld [smem:$0x3FFD];
	_ =	sdelay $0x3  }
0xa7: {  	_ =	strace s15  }
0xa8: {  	_ =	strace $0x8FFFFFFF  }
0xa9: {  	s24 =	sld [smem:$0x3FDB];
	_ =	sdelay $0x1  }
0xaa: {  	s18 =	simm.s32 $_scs_section_size  }
0xab: {  	s19 =	simm.s32 $_size__tile_task_arg_handler_lowered;
	s20 =	simm.s32 $_tile_task_arg_handler_lowered  }
0xac: {  	s28 =	simm.s32 $0x1BFF;
	s26 =	sshll.u32 s20, $0x1;
	s18 =	sadd.s32 s18, s24  }
0xad: {  	s21 =	simm.s32 $0x60;
	s25 =	sshll.u32 s19, $0x1;
	s19 =	sadd.s32 s26, s18  }
0xae: {  	[timem:s21], [sflag:s28] =	dma.local [hbm:s19], s25  }
0xaf: {  	_ =	swait.ge [sflag:s28], s25  }
0xb0: {  	s29 =	simm.s32 $_tile_overlayer_lowered;
	s15 =	ssub.s32 $0x0, s25;
	[sflag:s28] =	ssyncset.done $0x0  }
0xb1: {  	s30 =	simm.s32 $_size__tile_overlayer_lowered;
	s19 =	sshll.u32 s29, $0x1;
	[sflag:s28] =	ssyncadd.s32 s15  }
0xb2: {  	s31 =	sshll.u32 s30, $0x1;
	s19 =	sadd.s32 s19, s18;
	s15 =	simm.s32 $0x0  }
0xb3: {  	[timem:s15], [sflag:s28] =	dma.local [hbm:s19], s31  }
0xb4: {  	_ =	swait.ge [sflag:s28], s31  }
0xb5: {  	s22 =	ssub.s32 $0x0, s31;
	[sflag:s28] =	ssyncset.done $0x0  }
0xb6: {  	[sflag:s28] =	ssyncadd.s32 s22;
	_ =	sdelay $0x1  }
0xb7: {  	s23 =	simm.s32 $0x1B8B  }
0xb8: {  	_ =	swait.ge [sflag:s23], $0x1  }
0xb9: {  	[sflag:s23] =	ssyncset.done $0x0  }
0xba: {  	s25 =	simm.s32 $0x1B8E;
	s24 =	sld [smem:$0x3FFE];
	[sflag:s23] =	ssyncadd.s32 $0xFFFFFFFF  }
0xbb: {  	s26 =	simm.s32 $execute0_lowered;
	[smem:$0x3FD2] =	sst s25  }
0xbc: {  	s20 =	sshll.u32 s26, $0x1;
	_ =	strace $0x80000046;
	[dreg:$0x1] =	wrdreg $0xFFFFFFFF  }
0xbd: {  	s18 =	sadd.s32 s18, s20;
	s28 =	simm.s32 $_size_execute0_lowered;
	[dreg:$0x0] =	wrdreg $0x0  }
0xbe: {  	s20 =	sshll.u32 s28, $0x1;
	[dreg:$0x2] =	wrdreg s18  }
0xbf: {  	[dreg:$0x3] =	wrdreg s20  }
0xc0: {  	[dreg:$0x4] =	wrdreg $0xC0  }
0xc1: {  	_ =	task [dreg:s15], $0x5FFFF  }
0xc2: {  	[dreg:$0x1] =	wrdreg $0xFFFFFFFF  }
0xc3: {  	[dreg:$0x0] =	wrdreg $0x30  }
0xc4: {  	[dreg:$0x2] =	wrdreg $0x0  }
0xc5: {  	[dreg:$0x3] =	wrdreg s16  }
0xc6: {  	[dreg:$0x4] =	wrdreg s24  }
0xc7: {  	[dreg:$0x5] =	wrdreg $0x9  }
0xc8: {  	_ =	task [dreg:s15], $0x6FFFF  }
0xc9: {  	[dreg:$0x1] =	wrdreg $0xFFFFFFFF  }
0xca: {  	[dreg:$0x0] =	wrdreg $0x60  }
0xcb: {  	[dreg:$0x2] =	wrdreg s6  }
0xcc: {  	[dreg:$0x3] =	wrdreg s7  }
0xcd: {  	[dreg:$0x4] =	wrdreg s17  }
0xce: {  	[dreg:$0x5] =	wrdreg s4  }
0xcf: {  	[dreg:$0x6] =	wrdreg s5  }
0xd0: {  	[dreg:$0x7] =	wrdreg s9  }
0xd1: {  	[dreg:$0x8] =	wrdreg s10  }
0xd2: {  	[dreg:$0x9] =	wrdreg s2  }
0xd3: {  	[dreg:$0xa] =	wrdreg s3  }
0xd4: {  	[dreg:$0xb] =	wrdreg s11  }
0xd5: {  	[dreg:$0xc] =	wrdreg s12  }
0xd6: {  	[dreg:$0xd] =	wrdreg s13  }
0xd7: {  	[dreg:$0xe] =	wrdreg s14  }
0xd8: {  	[dreg:$0xf] =	wrdreg s8  }
0xd9: {  	_ =	task.clear_ibuf [dreg:s15], $0x10FFFF;
	_ =	strace $0x90000046  }
0xda: {  	s29 =	simm.s32 $0x9;
	_ =	strace $0x80000048  }
0xdb: {  	_ =	swait.ge [sflag:s29], $0x1  }
0xdc: {  	[sflag:s29] =	ssyncadd.s32 $0xFFFFFFFF  }
0xdd: {  	_ =	strace $0x90000048  }
0xde: {  	_ =	sfence  }
0xdf: {  	s30 =	sld [smem:$0x0];
	_ =	sdelay $0x2  }
0xe0: {  	s31 =	sshll.u32 s1, $0xD;
	s1 =	sshrl.u32 s1, $0x2  }
0xe1: {  	s3 =	sand.u32 $0x4000, s31;
	s1 =	sadd.s32 s1, s30  }
0xe2: {  	s0 =	sor.u32 s3, s0;
	s1 =	sshll.u32 s1, $0x11  }
0xe3: {  	s0 =	sor.u32 s1, s0  }
0xe4: {  	s0 =	sadd.s32 $0x8F2B, s0  }
0xe5: {  	[sflag:s0] =	ssyncadd.remote.s32 $0x1  }
0xe6: {  	_ =	sfence.sel $0xFFFF  }
0xe7: {  	[dreg:$0x0] =	wrdreg $0xFFFFFFFF;
	(pc) =	sbr.abs _section_cstart, $3  }
0xe8: {  	[dreg:$0x1] =	wrdreg $0xFFFFFFFF  }
0xe9: {  	_ =	task.clear_ibuf [dreg:s15], $0x2FFFF;
	_ =	strace $0x9FFFFFFF  }
0xea: {  	(tm) =	ssettm $0x7FFFFFFF  }
0xeb: {  	_ =	shalt  }
tec
_tile_task_arg_handler_lowered:
.L_overlay_start_1:
0x0: {  	(tag) =	ssettag $0x1  }
0x1: {  	s0 =	rddreg [dreg:$0x0]  }
0x2: {  	s1 =	rddreg [dreg:$0x1]  }
0x3: {  	s2 =	rddreg [dreg:$0x2]  }
0x4: {  	s3 =	rddreg [dreg:$0x3]  }
0x5: {  	s4 =	rddreg [dreg:$0x4]  }
0x6: {  	s5 =	rddreg [dreg:$0x5]  }
0x7: {  	s6 =	rddreg [dreg:$0x6]  }
0x8: {  	s7 =	rddreg [dreg:$0x7]  }
0x9: {  	s8 =	rddreg [dreg:$0x8]  }
0xa: {  	s9 =	rddreg [dreg:$0x9]  }
0xb: {  	s10 =	rddreg [dreg:$0xa]  }
0xc: {  	s11 =	rddreg [dreg:$0xb]  }
0xd: {  	s12 =	rddreg [dreg:$0xc]  }
0xe: {  	s13 =	rddreg [dreg:$0xd]  }
0xf: {  	[smem:s0] =	sst s1  }
0x10: {  	[smem:s0+$0x1] =	sst s2  }
0x11: {  	[smem:s0+$0x2] =	sst s3  }
0x12: {  	[smem:s0+$0x3] =	sst s4  }
0x13: {  	[smem:s0+$0x4] =	sst s5  }
0x14: {  	[smem:s0+$0x5] =	sst s6  }
0x15: {  	[smem:s0+$0x6] =	sst s7  }
0x16: {  	[smem:s0+$0x7] =	sst s8  }
0x17: {  	[smem:s0+$0x8] =	sst s9  }
0x18: {  	[smem:s0+$0x9] =	sst s10  }
0x19: {  	[smem:s0+$0xA] =	sst s11  }
0x1a: {  	[smem:s0+$0xB] =	sst s12  }
0x1b: {  	[smem:s0+$0xC] =	sst s13;
	_ =	shalt  }
.Lfunc_end2:
execute0_lowered:
.L_overlay_start_2:
0x1c: {  	(tag) =	ssettag $0x2  }
0x1d: {  	s0 =	rddreg [dreg:$0x0]  }
0x1e: {  	s1 =	rddreg [dreg:$0x1]  }
0x1f: {  	s2 =	rddreg [dreg:$0x2]  }
0x20: {  	s4 =	rddreg [dreg:$0x7]  }
0x21: {  	s5 =	rddreg [dreg:$0x8]  }
0x22: {  	s3 =	rddreg [dreg:$0x9]  }
0x23: {  	s6 =	rddreg [dreg:$0xa]  }
0x24: {  	s8 =	rddreg [dreg:$0xb]  }
0x25: {  	s11 =	rddreg [dreg:$0xc]  }
0x26: {  	s12 =	rddreg [dreg:$0xd]  }
0x27: {  	s7 =	simm.s32 $0x0;
	s14 =	srdreg.scid;
	s15 =	stileid.u32  }
0x28: {  	s28 =	simm.s32 $0x2;
	s31 =	simm.s32 $0x11D00;
	[smem:$0x7FF] =	sst s7  }
0x29: {  	s29 =	simm.s32 $0x15D00;
	s14 =	sand.u32 $0x1, s14;
	s13 =	sld [smem:$0x0]  }
0x2a: {  	s15 =	sshll.u32 s15, $0x1;
	s9 =	sld [smem:$0x2];
	s16 =	ssub.s32 $0x2, s14  }
0x2b: {  	s10 =	sld [smem:$0x1];
	s14 =	sor.u32 s14, s15;
	s19 =	sshrl.u32 s16, $0x1  }
0x2c: {  	s17 =	sshll.u32 s14, $0x4;
	s18 =	smul.u32 $0x380, s14;
	s20 =	sshll.u32 s14, $0xB  }
0x2d: {  	s15 =	ssub.s32 s16, s19;
	s0 =	sadd.s32 s0, s17;
	[dreg:$0xe] =	wrdreg s9  }
0x2e: {  	s1 =	sadd.s32 s1, s17;
	_ =	strace $0x80000047;
	[dreg:$0xf] =	wrdreg s0  }
0x2f: {  	s22 =	sadd.s32 s3, s20;
	s21 =	sadd.s32 s2, s18;
	[dreg:$0x10] =	wrdreg s1  }
0x30: {  	s23 =	sadd.s32 s6, s20;
	s24 =	sadd.s32 s8, s20;
	[dreg:$0x11] =	wrdreg s21  }
0x31: {  	s25 =	sadd.s32 s11, s20;
	s26 =	sadd.s32 s12, s20;
	[dreg:$0x12] =	wrdreg s22  }
0x32: {  	s8 =	simm.s32 $0x3;
	s11 =	simm.s32 $0x0;
	[dreg:$0x13] =	wrdreg s23  }
0x33: {  	s9 =	sadd.s32 $0x1A00, s10;
	s10 =	sadd.s32 $0x321A00, s10;
	[dreg:$0x14] =	wrdreg s24  }
0x34: {  	s30 =	smax.u32 s15, $0x1;
	s2 =	simm.s32 $0x5;
	[dreg:$0x15] =	wrdreg s25  }
0x35: {  	[dreg:$0x16] =	wrdreg s26;
	s0 =	sadd.s32 s13, s20;
	s20 =	smul.u32 $0x1900, s14  }
0x36: {  	[dreg:$0x18] =	wrdreg s30;
	s26 =	simm.s32 $0x1;
	s21 =	simm.s32 $0x19D00  }
0x37: {  	s1 =	simm.s32 $0xDD00;
	[dreg:$0x17] =	wrdreg s0;
	s0 =	simm.s32 $0x4  }
.LBB3_1:
0x38: {  	[dreg:$0x19] =	wrdreg s11  }
0x39: {  	s3 =	rddreg [dreg:$0xf];
	s12 =	simm.s32 $0xB  }
0x3a: {  	[tilespmem:s7], [sflag:$0xB] =	stream.linear.gather [hbm4b:s3+s7], $0x80, $0x38;
	[tilespmem:$0x1DD00] =	vst v63  }
0x3b: {  	_ =	swait.ge [sflag:s12], $0x80  }
0x3c: {  	[sflag:s12] =	ssyncset.done $0x0  }
0x3d: {  	s14 =	simm.s32 $0x80;
	s15 =	rddreg [dreg:$0x10];
	[sflag:s12] =	ssyncadd.s32 $0xFFFFFF80  }
0x3e: {  	[tilespmem:s14], [sflag:$0xB] =	stream.linear.gather [hbm4b:s15+s7], $0x80, $0x38;
	[tilespmem:$0x1DD00] =	vst v63  }
0x3f: {  	_ =	swait.ge [sflag:s12], $0x80  }
0x40: {  	[sflag:s12] =	ssyncset.done $0x0  }
0x41: {  	s3 =	simm.s32 $0x100;
	s16 =	rddreg [dreg:$0x11];
	[sflag:s12] =	ssyncadd.s32 $0xFFFFFF80  }
0x42: {  	[tilespmem:s3], [sflag:$0xB] =	stream.linear.gather [hbm4b:s16+s7], $0x1900, $0x38;
	[tilespmem:$0x1DD00] =	vst v63  }
0x43: {  	_ =	swait.ge [sflag:s12], $0x1900  }
0x44: {  	[sflag:s12] =	ssyncset.done $0x0  }
0x45: {  	[sflag:s12] =	ssyncadd.s32 $0xFFFFE700  }
0x46: {  	s13 =	simm.s32 $0x1D00;
	s17 =	rddreg [dreg:$0x3]  }
0x47: {  	[tilespmem:s13], [sflag:$0x1] =	stream.indirect.gather [hbm4b:s17+s14], $0x80, s7, s14, $0xb8;
	[tilespmem:$0x1DD00] =	vst v63  }
0x48: {  	s15 =	simm.s32 $0x5D00;
	s18 =	rddreg [dreg:$0x4]  }
0x49: {  	[tilespmem:s15], [sflag:$0x2] =	stream.indirect.gather [hbm4b:s18+s14], $0x80, s7, s14, $0xb8;
	[tilespmem:$0x1DD00] =	vst v63  }
0x4a: {  	_ =	swait.ge [sflag:s26], $0x4000  }
0x4b: {  	[sflag:s26] =	ssyncset.done $0x0  }
0x4c: {  	s19 =	rddreg [dreg:$0x12];
	[sflag:s26] =	ssyncadd.s32 $0xFFFFC000  }
0x4d: {  	[hbm4b:s19+s7] =	stream.linear.scatter [tilespmem:s13], [sflag:$0xB], $0x4000, $0x38;
	[tilespmem:$0x1DD00] =	vst v63  }
0x4e: {  	_ =	swait.ge [sflag:s12], $0x4000  }
0x4f: {  	[sflag:s12] =	ssyncset.done $0x0  }
0x50: {  	[sflag:s12] =	ssyncadd.s32 $0xFFFFC000  }
0x51: {  	s22 =	rddreg [dreg:$0x5]  }
0x52: {  	[tilespmem:s13], [sflag:$0x1] =	stream.indirect.gather [hbm4b:s22+s14], $0x80, s7, s14, $0xb8;
	[tilespmem:$0x1DD00] =	vst v63  }
0x53: {  	_ =	swait.ge [sflag:s28], $0x4000  }
0x54: {  	[sflag:s28] =	ssyncset.done $0x0  }
0x55: {  	s23 =	rddreg [dreg:$0x13];
	[sflag:s28] =	ssyncadd.s32 $0xFFFFC000  }
0x56: {  	[hbm4b:s23+s7] =	stream.linear.scatter [tilespmem:s15], [sflag:$0xB], $0x4000, $0x38;
	[tilespmem:$0x1DD00] =	vst v63  }
0x57: {  	_ =	swait.ge [sflag:s12], $0x4000  }
0x58: {  	[sflag:s12] =	ssyncset.done $0x0  }
0x59: {  	[sflag:s12] =	ssyncadd.s32 $0xFFFFC000  }
0x5a: {  	s24 =	rddreg [dreg:$0x6]  }
0x5b: {  	[tilespmem:s15], [sflag:$0x2] =	stream.indirect.gather [hbm4b:s24+s14], $0x80, s7, s14, $0xb8;
	[tilespmem:$0x1DD00] =	vst v63  }
0x5c: {  	_ =	swait.ge [sflag:s26], $0x4000  }
0x5d: {  	[sflag:s26] =	ssyncset.done $0x0  }
0x5e: {  	s25 =	rddreg [dreg:$0x14];
	[sflag:s26] =	ssyncadd.s32 $0xFFFFC000  }
0x5f: {  	[hbm4b:s25+s7] =	stream.linear.scatter [tilespmem:s13], [sflag:$0xB], $0x4000, $0x38;
	[tilespmem:$0x1DD00] =	vst v63  }
0x60: {  	_ =	swait.ge [sflag:s12], $0x4000  }
0x61: {  	[sflag:s12] =	ssyncset.done $0x0  }
0x62: {  	[sflag:s12] =	ssyncadd.s32 $0xFFFFC000  }
0x63: {  	[tilespmem:s13], [sflag:$0x1] =	stream.indirect.gather [hbm4b:s4+s14], $0x80, s14, s14, $0xb8;
	[tilespmem:$0x1DD00] =	vst v63  }
0x64: {  	_ =	swait.ge [sflag:s28], $0x4000  }
0x65: {  	[sflag:s28] =	ssyncset.done $0x0  }
0x66: {  	s30 =	rddreg [dreg:$0x15];
	[sflag:s28] =	ssyncadd.s32 $0xFFFFC000  }
0x67: {  	[hbm4b:s30+s7] =	stream.linear.scatter [tilespmem:s15], [sflag:$0xB], $0x4000, $0x38;
	[tilespmem:$0x1DD00] =	vst v63  }
0x68: {  	_ =	swait.ge [sflag:s12], $0x4000  }
0x69: {  	[sflag:s12] =	ssyncset.done $0x0  }
0x6a: {  	[sflag:s12] =	ssyncadd.s32 $0xFFFFC000  }
0x6b: {  	[tilespmem:s15], [sflag:$0x2] =	stream.indirect.gather [hbm4b:s5+s14], $0x80, s14, s14, $0xb8;
	[tilespmem:$0x1DD00] =	vst v63  }
0x6c: {  	_ =	swait.ge [sflag:s26], $0x4000  }
0x6d: {  	[sflag:s26] =	ssyncset.done $0x0  }
0x6e: {  	s6 =	rddreg [dreg:$0x16];
	[sflag:s26] =	ssyncadd.s32 $0xFFFFC000  }
0x6f: {  	[hbm4b:s6+s7] =	stream.linear.scatter [tilespmem:s13], [sflag:$0xB], $0x4000, $0x38;
	[tilespmem:$0x1DD00] =	vst v63  }
0x70: {  	_ =	swait.ge [sflag:s12], $0x4000  }
0x71: {  	[sflag:s12] =	ssyncset.done $0x0  }
0x72: {  	[sflag:s12] =	ssyncadd.s32 $0xFFFFC000  }
0x73: {  	_ =	swait.ge [sflag:s28], $0x4000  }
0x74: {  	[sflag:s28] =	ssyncset.done $0x0  }
0x75: {  	s13 =	rddreg [dreg:$0x17];
	[sflag:s28] =	ssyncadd.s32 $0xFFFFC000  }
0x76: {  	[hbm4b:s13+s7] =	stream.linear.scatter [tilespmem:s15], [sflag:$0xB], $0x4000, $0x38;
	[tilespmem:$0x1DD00] =	vst v63  }
0x77: {  	p0 =	por $0x0, $0x0;
	_ =	swait.ge [sflag:s12], $0x4000  }
0x78: {  	p1 =	por p0, p0;
	[sflag:s12] =	ssyncset.done $0x0  }
0x79: {  	s11 =	simm.s32 @p1 $0x6;
	[sflag:s12] =	ssyncadd.s32 $0xFFFFC000  }
0x7a: {  	_ =	swait.ge @p1 [sflag:s11], $0x4000  }
0x7b: {  	s13 =	simm.s32 @p1 $0x9D00;
	[sflag:s11] =	ssyncset.done @p1 $0x0  }
0x7c: {  	s12 =	simm.s32 @p1 $0x7;
	[sflag:s11] =	ssyncadd.s32 @p1 $0xFFFFC000;
	s11 =	simm.s32 @p1 $0x80  }
0x7d: {  	[tilespmem:s13], [sflag:$0x1] =	stream.indirect.gather @p1 [hbm4b:s4+s11], $0x80, s3, s11, $0xb8;
	[tilespmem:$0x1DD00] =	vst v63  }
0x7e: {  	_ =	swait.ge @p1 [sflag:s12], $0x4000  }
0x7f: {  	s3 =	simm.s32 @p1 $0x8;
	[sflag:s12] =	ssyncset.done @p1 $0x0  }
0x80: {  	s13 =	simm.s32 @p1 $0xDD00;
	[sflag:s12] =	ssyncadd.s32 @p1 $0xFFFFC000;
	s12 =	simm.s32 @p1 $0x180  }
0x81: {  	[tilespmem:s13], [sflag:$0x2] =	stream.indirect.gather @p1 [hbm4b:s4+s11], $0x80, s12, s11, $0xb8;
	[tilespmem:$0x1DD00] =	vst v63  }
0x82: {  	_ =	swait.ge @p1 [sflag:s3], $0x4000  }
0x83: {  	s16 =	simm.s32 @!p1 $0x9D00;
	s12 =	simm.s32 @p1 $0x9;
	[sflag:s3] =	ssyncset.done @p1 $0x0  }
0x84: {  	s13 =	simm.s32 @p1 $0x11D00;
	[sflag:s3] =	ssyncadd.s32 @p1 $0xFFFFC000;
	s3 =	simm.s32 @p1 $0x200  }
0x85: {  	[tilespmem:s13], [sflag:$0x3] =	stream.indirect.gather @p1 [hbm4b:s4+s11], $0x80, s3, s11, $0xb8;
	[tilespmem:$0x1DD00] =	vst v63  }
0x86: {  	s17 =	simm.s32 @!p1 $0x100;
	s18 =	simm.s32 @!p1 $0xDD00;
	_ =	swait.ge @p1 [sflag:s12], $0x4000  }
0x87: {  	s19 =	simm.s32 @!p1 $0x15D00;
	s13 =	simm.s32 @p1 $0xA;
	[sflag:s12] =	ssyncset.done @p1 $0x0  }
0x88: {  	s3 =	simm.s32 @p1 $0x280;
	[sflag:s12] =	ssyncadd.s32 @p1 $0xFFFFC000;
	s12 =	simm.s32 @p1 $0x15D00  }
0x89: {  	[tilespmem:s12], [sflag:$0x4] =	stream.indirect.gather @p1 [hbm4b:s4+s11], $0x80, s3, s11, $0xb8;
	[tilespmem:$0x1DD00] =	vst v63  }
0x8a: {  	s24 =	simm.s32 $0x680;
	s6 =	simm.s32 $0x9D00;
	_ =	swait.ge @p1 [sflag:s13], $0x4000  }
0x8b: {  	s11 =	simm.s32 $0x180;
	s3 =	simm.s32 $0x400;
	[sflag:s13] =	ssyncset.done @p1 $0x0  }
0x8c: {  	s12 =	simm.s32 @p0 $0x0;
	[sflag:s13] =	ssyncadd.s32 @p1 $0xFFFFC000;
	s13 =	simm.s32 @!p1 $0x80  }
0x8d: {  	[tilespmem:s16], [sflag:$0x1] =	stream.indirect.gather @!p1 [hbm4b:s4+s13], $0x80, s17, s13, $0xb8;
	[tilespmem:$0x1DD00] =	vst v63  }
0x8e: {  	s12 =	simm.s32 @!p0 $0x0;
	s11 =	simm.s32 @!p0 $0x180;
	s17 =	simm.s32 @!p1 $0x180  }
0x8f: {  	[tilespmem:s18], [sflag:$0x2] =	stream.indirect.gather @!p1 [hbm4b:s4+s13], $0x80, s17, s13, $0xb8;
	[tilespmem:$0x1DD00] =	vst v63  }
0x90: {  	s15 =	sadd.s32 s20, s12;
	s17 =	simm.s32 @!p1 $0x200;
	s18 =	simm.s32 @!p1 $0x11D00  }
0x91: {  	[tilespmem:s18], [sflag:$0x3] =	stream.indirect.gather @!p1 [hbm4b:s4+s13], $0x80, s17, s13, $0xb8;
	[tilespmem:$0x1DD00] =	vst v63  }
0x92: {  	s11 =	sadd.s32 s20, s11;
	s16 =	simm.s32 @p0 $0x80;
	s18 =	simm.s32 @!p1 $0x280  }
0x93: {  	[tilespmem:s19], [sflag:$0x4] =	stream.indirect.gather @!p1 [hbm4b:s4+s13], $0x80, s18, s13, $0xb8;
	[tilespmem:$0x1DD00] =	vst v63  }
0x94: {  	s12 =	sadd.s32 $0x300, s12;
	s11 =	sshll.u32 s11, $0x4;
	s16 =	simm.s32 @!p0 $0x80  }
0x95: {  	[tilespmem:s21], [sflag:$0x5] =	stream.indirect.gather [hbm4b:s4+s14], $0x80, s12, s14, $0xb8;
	[tilespmem:$0x1DD00] =	vst v63  }
0x96: {  	s11 =	sadd.s32 s9, s11;
	s16 =	sadd.s32 s20, s16;
	_ =	swait.ge [sflag:s26], $0x4000  }
0x97: {  	s17 =	simm.s32 @p0 $0x100;
	s19 =	sshll.u32 s15, $0x4;
	[sflag:s26] =	ssyncset.done $0x0  }
0x98: {  	s17 =	simm.s32 @!p0 $0x100;
	s13 =	sadd.s32 s9, s19;
	[sflag:s26] =	ssyncadd.s32 $0xFFFFC000  }
0x99: {  	[hbm4b:s13+s7] =	stream.linear.scatter [tilespmem:s6], [sflag:$0x6], $0x4000, $0x38;
	[tilespmem:$0x1DD00] =	vst v63  }
0x9a: {  	p0 =	por $0x1, $0x1;
	s22 =	sadd.s32 s20, s17;
	_ =	swait.ge [sflag:s28], $0x4000  }
0x9b: {  	s3 =	simm.s32 @!p0 $0x180;
	s21 =	sshll.u32 s16, $0x4;
	[sflag:s28] =	ssyncset.done $0x0  }
0x9c: {  	s23 =	sshll.u32 s22, $0x4;
	s12 =	sadd.s32 s9, s21;
	[sflag:s28] =	ssyncadd.s32 $0xFFFFC000  }
0x9d: {  	[hbm4b:s12+s7] =	stream.linear.scatter [tilespmem:s1], [sflag:$0x7], $0x4000, $0x38;
	[tilespmem:$0x1DD00] =	vst v63  }
0x9e: {  	s19 =	simm.s32 @p0 $0x380;
	s3 =	sadd.s32 s20, s3;
	_ =	swait.ge [sflag:s8], $0x4000  }
0x9f: {  	s16 =	simm.s32 @p0 $0x280;
	s18 =	sadd.s32 s9, s23;
	[sflag:s8] =	ssyncset.done $0x0  }
0xa0: {  	s19 =	simm.s32 @!p0 $0x100;
	s16 =	simm.s32 @!p0 $0x0;
	[sflag:s8] =	ssyncadd.s32 $0xFFFFC000  }
0xa1: {  	[hbm4b:s18+s7] =	stream.linear.scatter [tilespmem:s31], [sflag:$0x8], $0x4000, $0x38;
	[tilespmem:$0x1DD00] =	vst v63  }
0xa2: {  	s30 =	sadd.s32 s20, s19;
	s21 =	sshll.u32 s3, $0x4;
	_ =	swait.ge [sflag:s0], $0x4000  }
0xa3: {  	s3 =	sadd.s32 $0x2000, s13;
	s25 =	sadd.s32 s20, s16;
	[sflag:s0] =	ssyncset.done $0x0  }
0xa4: {  	s19 =	sshll.u32 s30, $0x4;
	s12 =	simm.s32 @p0 $0x300;
	[sflag:s0] =	ssyncadd.s32 $0xFFFFC000  }
0xa5: {  	[hbm4b:s11+s7] =	stream.linear.scatter [tilespmem:s29], [sflag:$0x9], $0x4000, $0x38;
	[tilespmem:$0x1DD00] =	vst v63  }
0xa6: {  	s17 =	sshll.u32 s25, $0x4;
	s12 =	simm.s32 @!p0 $0x80;
	_ =	swait.ge [sflag:s2], $0x4000  }
0xa7: {  	s25 =	simm.s32 $0x380;
	s12 =	sadd.s32 s20, s12;
	[sflag:s2] =	ssyncset.done $0x0  }
0xa8: {  	p0 =	por p0, p0;
	s18 =	sshll.u32 s12, $0x4;
	[sflag:s2] =	ssyncadd.s32 $0xFFFFC000  }
.LBB3_2:
0xa9: {  	s6 =	simm.s32 $0x19D00;
	s13 =	smov.u32 s24  }
0xaa: {  	[hbm4b:s3+s7] =	stream.linear.scatter [tilespmem:s6], [sflag:$0xA], $0x4000, $0x38;
	[tilespmem:$0x1DD00] =	vst v63  }
0xab: {  	s24 =	sadd.s32 $0x280, s24;
	s11 =	simm.s32 @p0 $0x6;
	p1 =	sne.s32 s13, $0x180  }
0xac: {  	s3 =	sadd.s32 @p1 $0xFFFFFE80, s13;
	s12 =	sadd.s32 @p1 $0xFFFFFF00, s13;
	_ =	swait.ge @p0 [sflag:s11], $0x4000  }
0xad: {  	s14 =	simm.s32 @p0 $0x7;
	s3 =	simm.s32 @!p1 $0x0;
	[sflag:s11] =	ssyncset.done @p0 $0x0  }
0xae: {  	s15 =	simm.s32 @p0 $0x80;
	[sflag:s11] =	ssyncadd.s32 @p0 $0xFFFFC000;
	s11 =	simm.s32 @p0 $0x9D00  }
0xaf: {  	[tilespmem:s11], [sflag:$0x1] =	stream.indirect.gather @p0 [hbm4b:s4+s15], $0x80, s25, s15, $0xb8;
	[tilespmem:$0x1DD00] =	vst v63  }
0xb0: {  	s12 =	simm.s32 @!p1 $0x80;
	s11 =	sadd.s32 s20, s3;
	_ =	swait.ge @p0 [sflag:s14], $0x4000  }
0xb1: {  	s22 =	simm.s32 @p0 $0x8;
	s11 =	sshll.u32 s11, $0x4;
	[sflag:s14] =	ssyncset.done @p0 $0x0  }
0xb2: {  	s23 =	simm.s32 @p0 $0xDD00;
	[sflag:s14] =	ssyncadd.s32 @p0 $0xFFFFC000;
	s14 =	sadd.s32 @p0 $0x80, s25  }
0xb3: {  	[tilespmem:s23], [sflag:$0x2] =	stream.indirect.gather @p0 [hbm4b:s4+s15], $0x80, s14, s15, $0xb8;
	[tilespmem:$0x1DD00] =	vst v63  }
0xb4: {  	s12 =	sadd.s32 s20, s12;
	s14 =	sadd.s32 @p1 $0xFFFFFF80, s13;
	_ =	swait.ge @p0 [sflag:s22], $0x4000  }
0xb5: {  	s12 =	sshll.u32 s12, $0x4;
	s23 =	simm.s32 @p0 $0x9;
	[sflag:s22] =	ssyncset.done @p0 $0x0  }
0xb6: {  	s30 =	simm.s32 @p0 $0x11D00;
	[sflag:s22] =	ssyncadd.s32 @p0 $0xFFFFC000;
	s22 =	sadd.s32 @p0 $0x100, s25  }
0xb7: {  	[tilespmem:s30], [sflag:$0x3] =	stream.indirect.gather @p0 [hbm4b:s4+s15], $0x80, s22, s15, $0xb8;
	[tilespmem:$0x1DD00] =	vst v63  }
0xb8: {  	s13 =	simm.s32 @!p1 $0x180;
	s14 =	simm.s32 @!p1 $0x100;
	_ =	swait.ge @p0 [sflag:s23], $0x4000  }
0xb9: {  	s14 =	sadd.s32 s20, s14;
	s22 =	simm.s32 @p0 $0xA;
	[sflag:s23] =	ssyncset.done @p0 $0x0  }
0xba: {  	s30 =	simm.s32 @p0 $0x15D00;
	[sflag:s23] =	ssyncadd.s32 @p0 $0xFFFFC000;
	s23 =	sadd.s32 @p0 $0x180, s25  }
0xbb: {  	[tilespmem:s30], [sflag:$0x4] =	stream.indirect.gather @p0 [hbm4b:s4+s15], $0x80, s23, s15, $0xb8;
	[tilespmem:$0x1DD00] =	vst v63  }
0xbc: {  	s13 =	sadd.s32 s20, s13;
	s14 =	sshll.u32 s14, $0x4;
	_ =	swait.ge @p0 [sflag:s22], $0x4000  }
0xbd: {  	s13 =	sshll.u32 s13, $0x4;
	s15 =	simm.s32 @!p0 $0x9D00;
	[sflag:s22] =	ssyncset.done @p0 $0x0  }
0xbe: {  	s23 =	simm.s32 @!p0 $0x100;
	[sflag:s22] =	ssyncadd.s32 @p0 $0xFFFFC000;
	s22 =	simm.s32 @!p0 $0x80  }
0xbf: {  	[tilespmem:s15], [sflag:$0x1] =	stream.indirect.gather @!p0 [hbm4b:s4+s22], $0x80, s23, s22, $0xb8;
	[tilespmem:$0x1DD00] =	vst v63  }
0xc0: {  	p2 =	sne.s32 s24, $0x1A80;
	s15 =	simm.s32 @!p0 $0x180;
	s23 =	simm.s32 @!p0 $0xDD00  }
0xc1: {  	[tilespmem:s23], [sflag:$0x2] =	stream.indirect.gather @!p0 [hbm4b:s4+s22], $0x80, s15, s22, $0xb8;
	[tilespmem:$0x1DD00] =	vst v63  }
0xc2: {  	s15 =	simm.s32 @!p0 $0x200;
	s23 =	simm.s32 @!p0 $0x11D00  }
0xc3: {  	[tilespmem:s23], [sflag:$0x3] =	stream.indirect.gather @!p0 [hbm4b:s4+s22], $0x80, s15, s22, $0xb8;
	[tilespmem:$0x1DD00] =	vst v63  }
0xc4: {  	s15 =	simm.s32 @!p0 $0x280;
	s23 =	simm.s32 @!p0 $0x15D00  }
0xc5: {  	[tilespmem:s23], [sflag:$0x4] =	stream.indirect.gather @!p0 [hbm4b:s4+s22], $0x80, s15, s22, $0xb8;
	[tilespmem:$0x1DD00] =	vst v63  }
0xc6: {  	s15 =	sadd.s32 $0x300, s16  }
0xc7: {  	s16 =	smov.u32 s3;
	p0 =	por p1, p1;
	s3 =	simm.s32 $0x80  }
0xc8: {  	[tilespmem:s6], [sflag:$0x5] =	stream.indirect.gather [hbm4b:s4+s3], $0x80, s15, s3, $0xb8;
	[tilespmem:$0x1DD00] =	vst v63  }
0xc9: {  	_ =	swait.ge [sflag:s26], $0x4000  }
0xca: {  	s3 =	sadd.s32 s9, s17;
	[sflag:s26] =	ssyncset.done $0x0  }
0xcb: {  	s17 =	smov.u32 s11;
	s6 =	simm.s32 $0x9D00;
	[sflag:s26] =	ssyncadd.s32 $0xFFFFC000  }
0xcc: {  	[hbm4b:s3+s7] =	stream.linear.scatter [tilespmem:s6], [sflag:$0x6], $0x4000, $0x38;
	[tilespmem:$0x1DD00] =	vst v63  }
0xcd: {  	_ =	swait.ge [sflag:s28], $0x4000  }
0xce: {  	[sflag:s28] =	ssyncset.done $0x0  }
0xcf: {  	s11 =	sadd.s32 s9, s18;
	s18 =	smov.u32 s12;
	[sflag:s28] =	ssyncadd.s32 $0xFFFFC000  }
0xd0: {  	[hbm4b:s11+s7] =	stream.linear.scatter [tilespmem:s1], [sflag:$0x7], $0x4000, $0x38;
	[tilespmem:$0x1DD00] =	vst v63  }
0xd1: {  	_ =	swait.ge [sflag:s8], $0x4000  }
0xd2: {  	[sflag:s8] =	ssyncset.done $0x0  }
0xd3: {  	s11 =	sadd.s32 s9, s19;
	s19 =	smov.u32 s14;
	[sflag:s8] =	ssyncadd.s32 $0xFFFFC000  }
0xd4: {  	[hbm4b:s11+s7] =	stream.linear.scatter [tilespmem:s31], [sflag:$0x8], $0x4000, $0x38;
	[tilespmem:$0x1DD00] =	vst v63  }
0xd5: {  	_ =	swait.ge [sflag:s0], $0x4000  }
0xd6: {  	[sflag:s0] =	ssyncset.done $0x0  }
.Ltmp0:
0xd7: {  	s11 =	sadd.s32 s9, s21;
	[sflag:s0] =	ssyncadd.s32 $0xFFFFC000;
	(pc) =	sbr.rel @p2 .LBB3_2-.Ltmp0, $4  }
0xd8: {  	[hbm4b:s11+s7] =	stream.linear.scatter [tilespmem:s29], [sflag:$0x9], $0x4000, $0x38;
	[tilespmem:$0x1DD00] =	vst v63  }
0xd9: {  	s21 =	smov.u32 s13;
	_ =	swait.ge [sflag:s2], $0x4000  }
0xda: {  	[sflag:s2] =	ssyncset.done $0x0  }
0xdb: {  	s25 =	sadd.s32 $0x280, s25;
	s3 =	sadd.s32 $0x2000, s3;
	[sflag:s2] =	ssyncadd.s32 $0xFFFFC000  }
0xdc: {  	s1 =	simm.s32 $0x19D00  }
0xdd: {  	[hbm4b:s3+s7] =	stream.linear.scatter [tilespmem:s1], [sflag:$0xA], $0x4000, $0x38;
	[tilespmem:$0x1DD00] =	vst v63  }
0xde: {  	s3 =	simm.s32 @p0 $0x6  }
0xdf: {  	_ =	swait.ge @p0 [sflag:s3], $0x4000  }
0xe0: {  	s11 =	simm.s32 @p0 $0x7;
	[sflag:s3] =	ssyncset.done @p0 $0x0  }
0xe1: {  	s12 =	simm.s32 @p0 $0x9D00;
	[sflag:s3] =	ssyncadd.s32 @p0 $0xFFFFC000;
	s3 =	simm.s32 @p0 $0x80  }
0xe2: {  	[tilespmem:s12], [sflag:$0x1] =	stream.indirect.gather @p0 [hbm4b:s4+s3], $0x80, s25, s3, $0xb8;
	[tilespmem:$0x1DD00] =	vst v63  }
0xe3: {  	_ =	swait.ge @p0 [sflag:s11], $0x4000  }
0xe4: {  	[sflag:s11] =	ssyncset.done @p0 $0x0  }
0xe5: {  	s12 =	simm.s32 @p0 $0xDD00;
	[sflag:s11] =	ssyncadd.s32 @p0 $0xFFFFC000;
	s11 =	sadd.s32 @p0 $0x80, s25  }
0xe6: {  	[tilespmem:s12], [sflag:$0x2] =	stream.indirect.gather @p0 [hbm4b:s4+s3], $0x80, s11, s3, $0xb8;
	[tilespmem:$0x1DD00] =	vst v63  }
0xe7: {  	s11 =	simm.s32 @p0 $0x8  }
0xe8: {  	_ =	swait.ge @p0 [sflag:s11], $0x4000  }
0xe9: {  	[sflag:s11] =	ssyncset.done @p0 $0x0  }
0xea: {  	s12 =	simm.s32 @p0 $0x11D00;
	[sflag:s11] =	ssyncadd.s32 @p0 $0xFFFFC000;
	s11 =	sadd.s32 @p0 $0x100, s25  }
0xeb: {  	[tilespmem:s12], [sflag:$0x3] =	stream.indirect.gather @p0 [hbm4b:s4+s3], $0x80, s11, s3, $0xb8;
	[tilespmem:$0x1DD00] =	vst v63  }
0xec: {  	s11 =	simm.s32 @p0 $0x9  }
0xed: {  	_ =	swait.ge @p0 [sflag:s11], $0x4000  }
0xee: {  	[sflag:s11] =	ssyncset.done @p0 $0x0  }
0xef: {  	s12 =	simm.s32 @p0 $0x15D00;
	[sflag:s11] =	ssyncadd.s32 @p0 $0xFFFFC000;
	s11 =	sadd.s32 @p0 $0x180, s25  }
0xf0: {  	[tilespmem:s12], [sflag:$0x4] =	stream.indirect.gather @p0 [hbm4b:s4+s3], $0x80, s11, s3, $0xb8;
	[tilespmem:$0x1DD00] =	vst v63  }
0xf1: {  	s3 =	simm.s32 @p0 $0xA  }
0xf2: {  	_ =	swait.ge @p0 [sflag:s3], $0x4000  }
0xf3: {  	s11 =	simm.s32 @!p0 $0x9D00;
	[sflag:s3] =	ssyncset.done @p0 $0x0  }
0xf4: {  	s12 =	simm.s32 @!p0 $0x100;
	[sflag:s3] =	ssyncadd.s32 @p0 $0xFFFFC000;
	s3 =	simm.s32 @!p0 $0x80  }
0xf5: {  	[tilespmem:s11], [sflag:$0x1] =	stream.indirect.gather @!p0 [hbm4b:s4+s3], $0x80, s12, s3, $0xb8;
	[tilespmem:$0x1DD00] =	vst v63  }
0xf6: {  	s11 =	simm.s32 @!p0 $0x180;
	s12 =	simm.s32 @!p0 $0xDD00  }
0xf7: {  	[tilespmem:s12], [sflag:$0x2] =	stream.indirect.gather @!p0 [hbm4b:s4+s3], $0x80, s11, s3, $0xb8;
	[tilespmem:$0x1DD00] =	vst v63  }
0xf8: {  	s11 =	simm.s32 @!p0 $0x200;
	s12 =	simm.s32 @!p0 $0x11D00  }
0xf9: {  	[tilespmem:s12], [sflag:$0x3] =	stream.indirect.gather @!p0 [hbm4b:s4+s3], $0x80, s11, s3, $0xb8;
	[tilespmem:$0x1DD00] =	vst v63  }
0xfa: {  	s11 =	simm.s32 @!p0 $0x280;
	s12 =	simm.s32 @!p0 $0x15D00  }
0xfb: {  	[tilespmem:s12], [sflag:$0x4] =	stream.indirect.gather @!p0 [hbm4b:s4+s3], $0x80, s11, s3, $0xb8;
	[tilespmem:$0x1DD00] =	vst v63  }
0xfc: {  	s22 =	simm.s32 $0x80;
	s11 =	sadd.s32 $0x300, s16  }
0xfd: {  	[tilespmem:s1], [sflag:$0x5] =	stream.indirect.gather [hbm4b:s4+s22], $0x80, s11, s22, $0xb8;
	[tilespmem:$0x1DD00] =	vst v63  }
0xfe: {  	_ =	swait.ge [sflag:s26], $0x4000  }
0xff: {  	[sflag:s26] =	ssyncset.done $0x0  }
0x100: {  	s23 =	simm.s32 $0x9D00;
	s12 =	sadd.s32 s9, s17;
	[sflag:s26] =	ssyncadd.s32 $0xFFFFC000  }
0x101: {  	[hbm4b:s12+s7] =	stream.linear.scatter [tilespmem:s23], [sflag:$0x6], $0x4000, $0x38;
	[tilespmem:$0x1DD00] =	vst v63  }
0x102: {  	_ =	swait.ge [sflag:s28], $0x4000  }
0x103: {  	[sflag:s28] =	ssyncset.done $0x0  }
0x104: {  	s13 =	sadd.s32 s9, s18;
	s18 =	simm.s32 $0xDD00;
	[sflag:s28] =	ssyncadd.s32 $0xFFFFC000  }
0x105: {  	[hbm4b:s13+s7] =	stream.linear.scatter [tilespmem:s18], [sflag:$0x7], $0x4000, $0x38;
	[tilespmem:$0x1DD00] =	vst v63  }
0x106: {  	_ =	swait.ge [sflag:s8], $0x4000  }
0x107: {  	[sflag:s8] =	ssyncset.done $0x0  }
0x108: {  	s14 =	sadd.s32 s9, s19;
	s19 =	simm.s32 $0x11D00;
	[sflag:s8] =	ssyncadd.s32 $0xFFFFC000  }
0x109: {  	[hbm4b:s14+s7] =	stream.linear.scatter [tilespmem:s19], [sflag:$0x8], $0x4000, $0x38;
	[tilespmem:$0x1DD00] =	vst v63  }
0x10a: {  	_ =	swait.ge [sflag:s0], $0x4000  }
0x10b: {  	[sflag:s0] =	ssyncset.done $0x0  }
0x10c: {  	s15 =	sadd.s32 s9, s21;
	s21 =	simm.s32 $0x15D00;
	[sflag:s0] =	ssyncadd.s32 $0xFFFFC000  }
0x10d: {  	[hbm4b:s15+s7] =	stream.linear.scatter [tilespmem:s21], [sflag:$0x9], $0x4000, $0x38;
	[tilespmem:$0x1DD00] =	vst v63  }
0x10e: {  	_ =	swait.ge [sflag:s2], $0x4000  }
0x10f: {  	[sflag:s2] =	ssyncset.done $0x0  }
0x110: {  	s16 =	simm.s32 $0x6;
	s3 =	sadd.s32 $0x2000, s12;
	[sflag:s2] =	ssyncadd.s32 $0xFFFFC000  }
0x111: {  	[hbm4b:s3+s7] =	stream.linear.scatter [tilespmem:s1], [sflag:$0xA], $0x4000, $0x38;
	[tilespmem:$0x1DD00] =	vst v63  }
0x112: {  	_ =	swait.ge [sflag:s16], $0x4000  }
0x113: {  	[sflag:s16] =	ssyncset.done $0x0  }
0x114: {  	s17 =	simm.s32 $0x7;
	[sflag:s16] =	ssyncadd.s32 $0xFFFFC000  }
0x115: {  	_ =	swait.ge [sflag:s17], $0x4000  }
0x116: {  	[sflag:s17] =	ssyncset.done $0x0  }
0x117: {  	s24 =	simm.s32 $0x8;
	[sflag:s17] =	ssyncadd.s32 $0xFFFFC000  }
0x118: {  	_ =	swait.ge [sflag:s24], $0x4000  }
0x119: {  	[sflag:s24] =	ssyncset.done $0x0  }
0x11a: {  	s25 =	simm.s32 $0x9;
	[sflag:s24] =	ssyncadd.s32 $0xFFFFC000  }
0x11b: {  	_ =	swait.ge [sflag:s25], $0x4000  }
0x11c: {  	[sflag:s25] =	ssyncset.done $0x0  }
0x11d: {  	s30 =	simm.s32 $0xA;
	[sflag:s25] =	ssyncadd.s32 $0xFFFFC000  }
0x11e: {  	p0 =	por $0x0, $0x0;
	_ =	swait.ge [sflag:s30], $0x4000  }
0x11f: {  	p1 =	por p0, p0;
	[sflag:s30] =	ssyncset.done $0x0  }
0x120: {  	s3 =	simm.s32 @p1 $0x6;
	[sflag:s30] =	ssyncadd.s32 $0xFFFFC000  }
0x121: {  	_ =	swait.ge @p1 [sflag:s3], $0x4000  }
0x122: {  	s11 =	simm.s32 $0x100;
	s12 =	simm.s32 @p1 $0x7;
	[sflag:s3] =	ssyncset.done @p1 $0x0  }
0x123: {  	s13 =	simm.s32 @p1 $0x9D00;
	[sflag:s3] =	ssyncadd.s32 @p1 $0xFFFFC000;
	s3 =	simm.s32 @p1 $0x80  }
0x124: {  	[tilespmem:s13], [sflag:$0x1] =	stream.indirect.gather @p1 [hbm4b:s5+s3], $0x80, s11, s3, $0xb8;
	[tilespmem:$0x1DD00] =	vst v63  }
0x125: {  	_ =	swait.ge @p1 [sflag:s12], $0x4000  }
0x126: {  	s11 =	simm.s32 @p1 $0x8;
	[sflag:s12] =	ssyncset.done @p1 $0x0  }
0x127: {  	s13 =	simm.s32 @p1 $0xDD00;
	[sflag:s12] =	ssyncadd.s32 @p1 $0xFFFFC000;
	s12 =	simm.s32 @p1 $0x180  }
0x128: {  	[tilespmem:s13], [sflag:$0x2] =	stream.indirect.gather @p1 [hbm4b:s5+s3], $0x80, s12, s3, $0xb8;
	[tilespmem:$0x1DD00] =	vst v63  }
0x129: {  	s31 =	simm.s32 $0x11D00;
	s29 =	simm.s32 $0x15D00;
	_ =	swait.ge @p1 [sflag:s11], $0x4000  }
0x12a: {  	s14 =	simm.s32 @!p1 $0x9D00;
	s12 =	simm.s32 @p1 $0x9;
	[sflag:s11] =	ssyncset.done @p1 $0x0  }
0x12b: {  	s13 =	simm.s32 @p1 $0x11D00;
	[sflag:s11] =	ssyncadd.s32 @p1 $0xFFFFC000;
	s11 =	simm.s32 @p1 $0x200  }
0x12c: {  	[tilespmem:s13], [sflag:$0x3] =	stream.indirect.gather @p1 [hbm4b:s5+s3], $0x80, s11, s3, $0xb8;
	[tilespmem:$0x1DD00] =	vst v63  }
0x12d: {  	s15 =	simm.s32 @!p1 $0x100;
	s16 =	simm.s32 @!p1 $0xDD00;
	_ =	swait.ge @p1 [sflag:s12], $0x4000  }
0x12e: {  	s17 =	simm.s32 @!p1 $0x15D00;
	s11 =	simm.s32 @p1 $0xA;
	[sflag:s12] =	ssyncset.done @p1 $0x0  }
0x12f: {  	s13 =	simm.s32 @p1 $0x15D00;
	[sflag:s12] =	ssyncadd.s32 @p1 $0xFFFFC000;
	s12 =	simm.s32 @p1 $0x280  }
0x130: {  	[tilespmem:s13], [sflag:$0x4] =	stream.indirect.gather @p1 [hbm4b:s5+s3], $0x80, s12, s3, $0xb8;
	[tilespmem:$0x1DD00] =	vst v63  }
0x131: {  	s12 =	simm.s32 $0x180;
	s13 =	simm.s32 @p0 $0x0;
	_ =	swait.ge @p1 [sflag:s11], $0x4000  }
0x132: {  	s3 =	simm.s32 $0x400;
	s13 =	simm.s32 @!p0 $0x0;
	[sflag:s11] =	ssyncset.done @p1 $0x0  }
0x133: {  	s12 =	simm.s32 @!p0 $0x180;
	[sflag:s11] =	ssyncadd.s32 @p1 $0xFFFFC000;
	s11 =	simm.s32 @!p1 $0x80  }
0x134: {  	[tilespmem:s14], [sflag:$0x1] =	stream.indirect.gather @!p1 [hbm4b:s5+s11], $0x80, s15, s11, $0xb8;
	[tilespmem:$0x1DD00] =	vst v63  }
0x135: {  	s6 =	sadd.s32 s20, s13;
	s13 =	sadd.s32 $0x300, s13;
	s15 =	simm.s32 @!p1 $0x180  }
0x136: {  	[tilespmem:s16], [sflag:$0x2] =	stream.indirect.gather @!p1 [hbm4b:s5+s11], $0x80, s15, s11, $0xb8;
	[tilespmem:$0x1DD00] =	vst v63  }
0x137: {  	s12 =	sadd.s32 s20, s12;
	s15 =	simm.s32 @!p1 $0x200;
	s16 =	simm.s32 @!p1 $0x11D00  }
0x138: {  	[tilespmem:s16], [sflag:$0x3] =	stream.indirect.gather @!p1 [hbm4b:s5+s11], $0x80, s15, s11, $0xb8;
	[tilespmem:$0x1DD00] =	vst v63  }
0x139: {  	s12 =	sshll.u32 s12, $0x4;
	s14 =	simm.s32 @p0 $0x80;
	s16 =	simm.s32 @!p1 $0x280  }
0x13a: {  	[tilespmem:s17], [sflag:$0x4] =	stream.indirect.gather @!p1 [hbm4b:s5+s11], $0x80, s16, s11, $0xb8;
	[tilespmem:$0x1DD00] =	vst v63  }
0x13b: {  	s12 =	sadd.s32 s10, s12;
	s14 =	simm.s32 @!p0 $0x80;
	s15 =	simm.s32 @p0 $0x100  }
0x13c: {  	[tilespmem:s1], [sflag:$0x5] =	stream.indirect.gather [hbm4b:s5+s22], $0x80, s13, s22, $0xb8;
	[tilespmem:$0x1DD00] =	vst v63  }
0x13d: {  	s14 =	sadd.s32 s20, s14;
	s15 =	simm.s32 @!p0 $0x100;
	_ =	swait.ge [sflag:s26], $0x4000  }
0x13e: {  	p0 =	por $0x1, $0x1;
	s17 =	sshll.u32 s6, $0x4;
	[sflag:s26] =	ssyncset.done $0x0  }
0x13f: {  	s24 =	sadd.s32 s20, s15;
	s11 =	sadd.s32 s10, s17;
	[sflag:s26] =	ssyncadd.s32 $0xFFFFC000  }
0x140: {  	[hbm4b:s11+s7] =	stream.linear.scatter [tilespmem:s23], [sflag:$0x6], $0x4000, $0x38;
	[tilespmem:$0x1DD00] =	vst v63  }
0x141: {  	s16 =	simm.s32 @p0 $0x280;
	s3 =	simm.s32 @!p0 $0x180;
	_ =	swait.ge [sflag:s28], $0x4000  }
0x142: {  	s16 =	simm.s32 @!p0 $0x0;
	s22 =	sshll.u32 s14, $0x4;
	[sflag:s28] =	ssyncset.done $0x0  }
0x143: {  	s3 =	sadd.s32 s20, s3;
	s13 =	sadd.s32 s10, s22;
	[sflag:s28] =	ssyncadd.s32 $0xFFFFC000  }
0x144: {  	[hbm4b:s13+s7] =	stream.linear.scatter [tilespmem:s18], [sflag:$0x7], $0x4000, $0x38;
	[tilespmem:$0x1DD00] =	vst v63  }
0x145: {  	s14 =	sshll.u32 s24, $0x4;
	s24 =	simm.s32 $0x680;
	_ =	swait.ge [sflag:s8], $0x4000  }
0x146: {  	s1 =	simm.s32 $0xDD00;
	s25 =	sadd.s32 s20, s16;
	[sflag:s8] =	ssyncset.done $0x0  }
0x147: {  	s17 =	sshll.u32 s25, $0x4;
	s14 =	sadd.s32 s10, s14;
	[sflag:s8] =	ssyncadd.s32 $0xFFFFC000  }
0x148: {  	[hbm4b:s14+s7] =	stream.linear.scatter [tilespmem:s19], [sflag:$0x8], $0x4000, $0x38;
	[tilespmem:$0x1DD00] =	vst v63  }
0x149: {  	s25 =	simm.s32 $0x380;
	s13 =	simm.s32 @p0 $0x300;
	_ =	swait.ge [sflag:s0], $0x4000  }
0x14a: {  	s13 =	simm.s32 @!p0 $0x80;
	s14 =	simm.s32 @p0 $0x380;
	[sflag:s0] =	ssyncset.done $0x0  }
0x14b: {  	s13 =	sadd.s32 s20, s13;
	s14 =	simm.s32 @!p0 $0x100;
	[sflag:s0] =	ssyncadd.s32 $0xFFFFC000  }
0x14c: {  	[hbm4b:s12+s7] =	stream.linear.scatter [tilespmem:s21], [sflag:$0x9], $0x4000, $0x38;
	[tilespmem:$0x1DD00] =	vst v63  }
0x14d: {  	s18 =	sshll.u32 s13, $0x4;
	s30 =	sadd.s32 s20, s14;
	_ =	swait.ge [sflag:s2], $0x4000  }
0x14e: {  	p0 =	por p0, p0;
	s19 =	sshll.u32 s30, $0x4;
	[sflag:s2] =	ssyncset.done $0x0  }
0x14f: {  	s21 =	sshll.u32 s3, $0x4;
	s3 =	sadd.s32 $0x2000, s11;
	[sflag:s2] =	ssyncadd.s32 $0xFFFFC000  }
.LBB3_4:
0x150: {  	s6 =	simm.s32 $0x19D00;
	s13 =	smov.u32 s24  }
0x151: {  	[hbm4b:s3+s7] =	stream.linear.scatter [tilespmem:s6], [sflag:$0xA], $0x4000, $0x38;
	[tilespmem:$0x1DD00] =	vst v63  }
0x152: {  	s24 =	sadd.s32 $0x280, s24;
	s11 =	simm.s32 @p0 $0x6;
	p1 =	sne.s32 s13, $0x180  }
0x153: {  	s3 =	sadd.s32 @p1 $0xFFFFFE80, s13;
	s12 =	sadd.s32 @p1 $0xFFFFFF00, s13;
	_ =	swait.ge @p0 [sflag:s11], $0x4000  }
0x154: {  	s14 =	simm.s32 @p0 $0x7;
	s3 =	simm.s32 @!p1 $0x0;
	[sflag:s11] =	ssyncset.done @p0 $0x0  }
0x155: {  	s15 =	simm.s32 @p0 $0x80;
	[sflag:s11] =	ssyncadd.s32 @p0 $0xFFFFC000;
	s11 =	simm.s32 @p0 $0x9D00  }
0x156: {  	[tilespmem:s11], [sflag:$0x1] =	stream.indirect.gather @p0 [hbm4b:s5+s15], $0x80, s25, s15, $0xb8;
	[tilespmem:$0x1DD00] =	vst v63  }
0x157: {  	s12 =	simm.s32 @!p1 $0x80;
	s11 =	sadd.s32 s20, s3;
	_ =	swait.ge @p0 [sflag:s14], $0x4000  }
0x158: {  	s22 =	simm.s32 @p0 $0x8;
	s11 =	sshll.u32 s11, $0x4;
	[sflag:s14] =	ssyncset.done @p0 $0x0  }
0x159: {  	s23 =	simm.s32 @p0 $0xDD00;
	[sflag:s14] =	ssyncadd.s32 @p0 $0xFFFFC000;
	s14 =	sadd.s32 @p0 $0x80, s25  }
0x15a: {  	[tilespmem:s23], [sflag:$0x2] =	stream.indirect.gather @p0 [hbm4b:s5+s15], $0x80, s14, s15, $0xb8;
	[tilespmem:$0x1DD00] =	vst v63  }
0x15b: {  	s12 =	sadd.s32 s20, s12;
	s14 =	sadd.s32 @p1 $0xFFFFFF80, s13;
	_ =	swait.ge @p0 [sflag:s22], $0x4000  }
0x15c: {  	s12 =	sshll.u32 s12, $0x4;
	s23 =	simm.s32 @p0 $0x9;
	[sflag:s22] =	ssyncset.done @p0 $0x0  }
0x15d: {  	s30 =	simm.s32 @p0 $0x11D00;
	[sflag:s22] =	ssyncadd.s32 @p0 $0xFFFFC000;
	s22 =	sadd.s32 @p0 $0x100, s25  }
0x15e: {  	[tilespmem:s30], [sflag:$0x3] =	stream.indirect.gather @p0 [hbm4b:s5+s15], $0x80, s22, s15, $0xb8;
	[tilespmem:$0x1DD00] =	vst v63  }
0x15f: {  	s13 =	simm.s32 @!p1 $0x180;
	s14 =	simm.s32 @!p1 $0x100;
	_ =	swait.ge @p0 [sflag:s23], $0x4000  }
0x160: {  	s14 =	sadd.s32 s20, s14;
	s22 =	simm.s32 @p0 $0xA;
	[sflag:s23] =	ssyncset.done @p0 $0x0  }
0x161: {  	s30 =	simm.s32 @p0 $0x15D00;
	[sflag:s23] =	ssyncadd.s32 @p0 $0xFFFFC000;
	s23 =	sadd.s32 @p0 $0x180, s25  }
0x162: {  	[tilespmem:s30], [sflag:$0x4] =	stream.indirect.gather @p0 [hbm4b:s5+s15], $0x80, s23, s15, $0xb8;
	[tilespmem:$0x1DD00] =	vst v63  }
0x163: {  	s13 =	sadd.s32 s20, s13;
	s14 =	sshll.u32 s14, $0x4;
	_ =	swait.ge @p0 [sflag:s22], $0x4000  }
0x164: {  	s13 =	sshll.u32 s13, $0x4;
	s15 =	simm.s32 @!p0 $0x9D00;
	[sflag:s22] =	ssyncset.done @p0 $0x0  }
0x165: {  	s23 =	simm.s32 @!p0 $0x100;
	[sflag:s22] =	ssyncadd.s32 @p0 $0xFFFFC000;
	s22 =	simm.s32 @!p0 $0x80  }
0x166: {  	[tilespmem:s15], [sflag:$0x1] =	stream.indirect.gather @!p0 [hbm4b:s5+s22], $0x80, s23, s22, $0xb8;
	[tilespmem:$0x1DD00] =	vst v63  }
0x167: {  	p2 =	sne.s32 s24, $0x1A80;
	s15 =	simm.s32 @!p0 $0x180;
	s23 =	simm.s32 @!p0 $0xDD00  }
0x168: {  	[tilespmem:s23], [sflag:$0x2] =	stream.indirect.gather @!p0 [hbm4b:s5+s22], $0x80, s15, s22, $0xb8;
	[tilespmem:$0x1DD00] =	vst v63  }
0x169: {  	s15 =	simm.s32 @!p0 $0x200;
	s23 =	simm.s32 @!p0 $0x11D00  }
0x16a: {  	[tilespmem:s23], [sflag:$0x3] =	stream.indirect.gather @!p0 [hbm4b:s5+s22], $0x80, s15, s22, $0xb8;
	[tilespmem:$0x1DD00] =	vst v63  }
0x16b: {  	s15 =	simm.s32 @!p0 $0x280;
	s23 =	simm.s32 @!p0 $0x15D00  }
0x16c: {  	[tilespmem:s23], [sflag:$0x4] =	stream.indirect.gather @!p0 [hbm4b:s5+s22], $0x80, s15, s22, $0xb8;
	[tilespmem:$0x1DD00] =	vst v63  }
0x16d: {  	s15 =	sadd.s32 $0x300, s16  }
0x16e: {  	s16 =	smov.u32 s3;
	p0 =	por p1, p1;
	s3 =	simm.s32 $0x80  }
0x16f: {  	[tilespmem:s6], [sflag:$0x5] =	stream.indirect.gather [hbm4b:s5+s3], $0x80, s15, s3, $0xb8;
	[tilespmem:$0x1DD00] =	vst v63  }
0x170: {  	_ =	swait.ge [sflag:s26], $0x4000  }
0x171: {  	s3 =	sadd.s32 s10, s17;
	[sflag:s26] =	ssyncset.done $0x0  }
0x172: {  	s17 =	smov.u32 s11;
	s6 =	simm.s32 $0x9D00;
	[sflag:s26] =	ssyncadd.s32 $0xFFFFC000  }
0x173: {  	[hbm4b:s3+s7] =	stream.linear.scatter [tilespmem:s6], [sflag:$0x6], $0x4000, $0x38;
	[tilespmem:$0x1DD00] =	vst v63  }
0x174: {  	_ =	swait.ge [sflag:s28], $0x4000  }
0x175: {  	[sflag:s28] =	ssyncset.done $0x0  }
0x176: {  	s11 =	sadd.s32 s10, s18;
	s18 =	smov.u32 s12;
	[sflag:s28] =	ssyncadd.s32 $0xFFFFC000  }
0x177: {  	[hbm4b:s11+s7] =	stream.linear.scatter [tilespmem:s1], [sflag:$0x7], $0x4000, $0x38;
	[tilespmem:$0x1DD00] =	vst v63  }
0x178: {  	_ =	swait.ge [sflag:s8], $0x4000  }
0x179: {  	[sflag:s8] =	ssyncset.done $0x0  }
0x17a: {  	s11 =	sadd.s32 s10, s19;
	s19 =	smov.u32 s14;
	[sflag:s8] =	ssyncadd.s32 $0xFFFFC000  }
0x17b: {  	[hbm4b:s11+s7] =	stream.linear.scatter [tilespmem:s31], [sflag:$0x8], $0x4000, $0x38;
	[tilespmem:$0x1DD00] =	vst v63  }
0x17c: {  	_ =	swait.ge [sflag:s0], $0x4000  }
0x17d: {  	[sflag:s0] =	ssyncset.done $0x0  }
.Ltmp1:
0x17e: {  	s11 =	sadd.s32 s10, s21;
	[sflag:s0] =	ssyncadd.s32 $0xFFFFC000;
	(pc) =	sbr.rel @p2 .LBB3_4-.Ltmp1, $4  }
0x17f: {  	[hbm4b:s11+s7] =	stream.linear.scatter [tilespmem:s29], [sflag:$0x9], $0x4000, $0x38;
	[tilespmem:$0x1DD00] =	vst v63  }
0x180: {  	s21 =	smov.u32 s13;
	_ =	swait.ge [sflag:s2], $0x4000  }
0x181: {  	[sflag:s2] =	ssyncset.done $0x0  }
0x182: {  	s25 =	sadd.s32 $0x280, s25;
	s3 =	sadd.s32 $0x2000, s3;
	[sflag:s2] =	ssyncadd.s32 $0xFFFFC000  }
0x183: {  	s6 =	simm.s32 $0x19D00  }
0x184: {  	[hbm4b:s3+s7] =	stream.linear.scatter [tilespmem:s6], [sflag:$0xA], $0x4000, $0x38;
	[tilespmem:$0x1DD00] =	vst v63  }
0x185: {  	s3 =	simm.s32 @p0 $0x6  }
0x186: {  	_ =	swait.ge @p0 [sflag:s3], $0x4000  }
0x187: {  	s11 =	simm.s32 @p0 $0x7;
	[sflag:s3] =	ssyncset.done @p0 $0x0  }
0x188: {  	s12 =	simm.s32 @p0 $0x9D00;
	[sflag:s3] =	ssyncadd.s32 @p0 $0xFFFFC000;
	s3 =	simm.s32 @p0 $0x80  }
0x189: {  	[tilespmem:s12], [sflag:$0x1] =	stream.indirect.gather @p0 [hbm4b:s5+s3], $0x80, s25, s3, $0xb8;
	[tilespmem:$0x1DD00] =	vst v63  }
0x18a: {  	_ =	swait.ge @p0 [sflag:s11], $0x4000  }
0x18b: {  	[sflag:s11] =	ssyncset.done @p0 $0x0  }
0x18c: {  	s12 =	simm.s32 @p0 $0xDD00;
	[sflag:s11] =	ssyncadd.s32 @p0 $0xFFFFC000;
	s11 =	sadd.s32 @p0 $0x80, s25  }
0x18d: {  	[tilespmem:s12], [sflag:$0x2] =	stream.indirect.gather @p0 [hbm4b:s5+s3], $0x80, s11, s3, $0xb8;
	[tilespmem:$0x1DD00] =	vst v63  }
0x18e: {  	s11 =	simm.s32 @p0 $0x8  }
0x18f: {  	_ =	swait.ge @p0 [sflag:s11], $0x4000  }
0x190: {  	[sflag:s11] =	ssyncset.done @p0 $0x0  }
0x191: {  	s12 =	simm.s32 @p0 $0x11D00;
	[sflag:s11] =	ssyncadd.s32 @p0 $0xFFFFC000;
	s11 =	sadd.s32 @p0 $0x100, s25  }
0x192: {  	[tilespmem:s12], [sflag:$0x3] =	stream.indirect.gather @p0 [hbm4b:s5+s3], $0x80, s11, s3, $0xb8;
	[tilespmem:$0x1DD00] =	vst v63  }
0x193: {  	s11 =	simm.s32 @p0 $0x9  }
0x194: {  	_ =	swait.ge @p0 [sflag:s11], $0x4000  }
0x195: {  	[sflag:s11] =	ssyncset.done @p0 $0x0  }
0x196: {  	s12 =	simm.s32 @p0 $0x15D00;
	[sflag:s11] =	ssyncadd.s32 @p0 $0xFFFFC000;
	s11 =	sadd.s32 @p0 $0x180, s25  }
0x197: {  	[tilespmem:s12], [sflag:$0x4] =	stream.indirect.gather @p0 [hbm4b:s5+s3], $0x80, s11, s3, $0xb8;
	[tilespmem:$0x1DD00] =	vst v63  }
0x198: {  	s3 =	simm.s32 @p0 $0xA  }
0x199: {  	_ =	swait.ge @p0 [sflag:s3], $0x4000  }
0x19a: {  	s11 =	simm.s32 @!p0 $0x9D00;
	[sflag:s3] =	ssyncset.done @p0 $0x0  }
0x19b: {  	s12 =	simm.s32 @!p0 $0x100;
	[sflag:s3] =	ssyncadd.s32 @p0 $0xFFFFC000;
	s3 =	simm.s32 @!p0 $0x80  }
0x19c: {  	[tilespmem:s11], [sflag:$0x1] =	stream.indirect.gather @!p0 [hbm4b:s5+s3], $0x80, s12, s3, $0xb8;
	[tilespmem:$0x1DD00] =	vst v63  }
0x19d: {  	s11 =	simm.s32 @!p0 $0x180;
	s12 =	simm.s32 @!p0 $0xDD00  }
0x19e: {  	[tilespmem:s12], [sflag:$0x2] =	stream.indirect.gather @!p0 [hbm4b:s5+s3], $0x80, s11, s3, $0xb8;
	[tilespmem:$0x1DD00] =	vst v63  }
0x19f: {  	s11 =	simm.s32 @!p0 $0x200;
	s12 =	simm.s32 @!p0 $0x11D00  }
0x1a0: {  	[tilespmem:s12], [sflag:$0x3] =	stream.indirect.gather @!p0 [hbm4b:s5+s3], $0x80, s11, s3, $0xb8;
	[tilespmem:$0x1DD00] =	vst v63  }
0x1a1: {  	s11 =	simm.s32 @!p0 $0x280;
	s12 =	simm.s32 @!p0 $0x15D00  }
0x1a2: {  	[tilespmem:s12], [sflag:$0x4] =	stream.indirect.gather @!p0 [hbm4b:s5+s3], $0x80, s11, s3, $0xb8;
	[tilespmem:$0x1DD00] =	vst v63  }
0x1a3: {  	s11 =	sadd.s32 $0x300, s16;
	s12 =	simm.s32 $0x80  }
0x1a4: {  	[tilespmem:s6], [sflag:$0x5] =	stream.indirect.gather [hbm4b:s5+s12], $0x80, s11, s12, $0xb8;
	[tilespmem:$0x1DD00] =	vst v63  }
0x1a5: {  	_ =	swait.ge [sflag:s26], $0x4000  }
0x1a6: {  	[sflag:s26] =	ssyncset.done $0x0  }
0x1a7: {  	s13 =	sadd.s32 s10, s17;
	s14 =	simm.s32 $0x9D00;
	[sflag:s26] =	ssyncadd.s32 $0xFFFFC000  }
0x1a8: {  	[hbm4b:s13+s7] =	stream.linear.scatter [tilespmem:s14], [sflag:$0x6], $0x4000, $0x38;
	[tilespmem:$0x1DD00] =	vst v63  }
0x1a9: {  	_ =	swait.ge [sflag:s28], $0x4000  }
0x1aa: {  	[sflag:s28] =	ssyncset.done $0x0  }
0x1ab: {  	s15 =	sadd.s32 s10, s18;
	[sflag:s28] =	ssyncadd.s32 $0xFFFFC000  }
0x1ac: {  	[hbm4b:s15+s7] =	stream.linear.scatter [tilespmem:s1], [sflag:$0x7], $0x4000, $0x38;
	[tilespmem:$0x1DD00] =	vst v63  }
0x1ad: {  	_ =	swait.ge [sflag:s8], $0x4000  }
0x1ae: {  	[sflag:s8] =	ssyncset.done $0x0  }
0x1af: {  	s16 =	sadd.s32 s10, s19;
	[sflag:s8] =	ssyncadd.s32 $0xFFFFC000  }
0x1b0: {  	[hbm4b:s16+s7] =	stream.linear.scatter [tilespmem:s31], [sflag:$0x8], $0x4000, $0x38;
	[tilespmem:$0x1DD00] =	vst v63  }
0x1b1: {  	_ =	swait.ge [sflag:s0], $0x4000  }
0x1b2: {  	[sflag:s0] =	ssyncset.done $0x0  }
0x1b3: {  	s17 =	sadd.s32 s10, s21;
	[sflag:s0] =	ssyncadd.s32 $0xFFFFC000  }
0x1b4: {  	[hbm4b:s17+s7] =	stream.linear.scatter [tilespmem:s29], [sflag:$0x9], $0x4000, $0x38;
	[tilespmem:$0x1DD00] =	vst v63  }
0x1b5: {  	_ =	swait.ge [sflag:s2], $0x4000  }
0x1b6: {  	[sflag:s2] =	ssyncset.done $0x0  }
0x1b7: {  	s18 =	simm.s32 $0x6;
	s3 =	sadd.s32 $0x2000, s13;
	[sflag:s2] =	ssyncadd.s32 $0xFFFFC000  }
0x1b8: {  	[hbm4b:s3+s7] =	stream.linear.scatter [tilespmem:s6], [sflag:$0xA], $0x4000, $0x38;
	[tilespmem:$0x1DD00] =	vst v63  }
0x1b9: {  	_ =	swait.ge [sflag:s18], $0x4000  }
0x1ba: {  	[sflag:s18] =	ssyncset.done $0x0  }
0x1bb: {  	s19 =	simm.s32 $0x7;
	[sflag:s18] =	ssyncadd.s32 $0xFFFFC000  }
0x1bc: {  	_ =	swait.ge [sflag:s19], $0x4000  }
0x1bd: {  	[sflag:s19] =	ssyncset.done $0x0  }
0x1be: {  	s22 =	simm.s32 $0x8;
	[sflag:s19] =	ssyncadd.s32 $0xFFFFC000  }
0x1bf: {  	_ =	swait.ge [sflag:s22], $0x4000  }
0x1c0: {  	[sflag:s22] =	ssyncset.done $0x0  }
0x1c1: {  	s23 =	simm.s32 $0x9;
	[sflag:s22] =	ssyncadd.s32 $0xFFFFC000  }
0x1c2: {  	_ =	swait.ge [sflag:s23], $0x4000  }
0x1c3: {  	[sflag:s23] =	ssyncset.done $0x0  }
0x1c4: {  	s24 =	simm.s32 $0xA;
	[sflag:s23] =	ssyncadd.s32 $0xFFFFC000  }
0x1c5: {  	_ =	swait.ge [sflag:s24], $0x4000  }
0x1c6: {  	s25 =	rddreg [dreg:$0x19]  }
0x1c7: {  	s30 =	rddreg [dreg:$0x18];
	s11 =	sadd.s32 $0x1, s25  }
0x1c8: {  	p0 =	sne.s32 s11, s30  }
.Ltmp2:
0x1c9: {  	_ = 	snop;
	(pc) =	sbr.rel @p0 .LBB3_1-.Ltmp2, $3  }
0x1ca: {  	_ =	sdelay $0x1  }
0x1cb: {  	[sflag:s24] =	ssyncset.done $0x0  }
0x1cc: {  	s21 =	simm.s32 $0x19D00;
	[sflag:s24] =	ssyncadd.s32 $0xFFFFC000  }
0x1cd: {  	_ =	sfence.sel $0x180000  }
0x1ce: {  	[bflag:$0x0] =	sbarrier.arrive $0xFFFF  }
0x1cf: {  	_ =	strace $0x90000047  }
0x1d0: {  	s0 =	stileid.u32;
	[bflag:$0x2] =	sbarrier.arrive $0xFFFF  }
0x1d1: {  	p0 =	sne.s32 s0, $0x0;
	s0 =	rddreg [dreg:$0xe]  }
0x1d2: {  	s0 =	sadd.s32 @!p0 $0x100000, s0  }
0x1d3: {  	[sflag:s0] =	ssyncadd.tile.s32 @!p0 $0x1;
	_ =	shalt  }
.Lfunc_end3:
_tile_overlayer_lowered:
.L_overlay_start_3:
0x1d4: {  	(tag) =	ssettag $0x3  }
0x1d5: {  	s0 =	rddreg [dreg:$0x0];
	s2 =	stileid.u32  }
0x1d6: {  	s1 =	rddreg [dreg:$0x1];
	p0 =	sne.s32 s2, $0x0  }
0x1d7: {  	s3 =	rddreg [dreg:$0x2];
	[bflag:$0x3] =	sbarrier.arrive $0xFFFF;
	s2 =	simm.s32 @!p0 $0x1C0B  }
0x1d8: {  	[timem:s3], [sflag:s2] =	dma.local @!p0 [hbm:s0], s1  }
0x1d9: {  	s0 =	simm.s32 @!p0 $0xB  }
0x1da: {  	_ =	swait.ge @!p0 [sflag:s0], s1  }
0x1db: {  	s1 =	ssub.s32 @!p0 $0x0, s1;
	[sflag:s0] =	ssyncset.done @!p0 $0x0  }
0x1dc: {  	[sflag:s0] =	ssyncadd.s32 @!p0 s1  }
0x1dd: {  	[bflag:$0x3] =	sbarrier.arrive $0xFFFF  }
0x1de: {  	_ =	shalt  }

</sc_bundles>
